<compile_context>
chip_gen: v7x
topology: tpu7x:2x2x1
jax: 0.10.2.dev20260603
libtpu: 0.0.44.dev20260713+nightly
codegen_flags: <defaults>
</compile_context>

<pallas_src>
import functools

import jax
import jax.numpy as jnp
from jax import lax
from jax.experimental import pallas as pl
from jax.experimental.pallas import tpu as pltpu
from jax.experimental.pallas import tpu_sc as plsc

_M = 16384
_A = 200
_NC = 2
_NS = 16
_NW = _NC * _NS
_L = 16
_MPW = _M // _NW


def _tec_body(species_hbm, energies_hbm, table_hbm, out_hbm,
              spc_v, eng_v, out_v, tbl_v):
    wid = lax.axis_index("s") * _NC + lax.axis_index("c")
    base = wid * _MPW

    pltpu.sync_copy(table_hbm, tbl_v)
    pltpu.sync_copy(energies_hbm.at[pl.ds(base, _MPW)], eng_v)
    pltpu.sync_copy(species_hbm.at[pl.ds(base * _A, _MPW * _A)], spc_v)

    tbl = tbl_v[...]
    lanes = lax.iota(jnp.int32, _L)

    def group_body(g, carry):
        idx0 = g * (_L * _A) + lanes * _A

        def atom_body(i, accs):
            a0 = i * 8
            acc0, acc1 = accs
            e = []
            for j in range(8):
                sp = plsc.load_gather(spc_v, [idx0 + (a0 + j)])
                e.append(tbl.at[sp].get(mode="promise_in_bounds"))
            s0 = (e[0] + e[1]) + (e[2] + e[3])
            s1 = (e[4] + e[5]) + (e[6] + e[7])
            return (acc0 + s0, acc1 + s1)

        z = jnp.zeros((_L,), jnp.float32)
        acc0, acc1 = lax.fori_loop(0, _A // 8, atom_body, (z, z), unroll=5)
        out_v[pl.ds(g * _L, _L)] = (acc0 + acc1) + eng_v[pl.ds(g * _L, _L)]
        return carry

    lax.fori_loop(0, _MPW // _L, group_body, 0)
    pltpu.sync_copy(out_v, out_hbm.at[pl.ds(base, _MPW)])


_shift = functools.partial(
    pl.kernel,
    out_type=jax.ShapeDtypeStruct((_M,), jnp.float32),
    mesh=plsc.VectorSubcoreMesh(core_axis_name="c", subcore_axis_name="s"),
    scratch_types=[
        pltpu.VMEM((_MPW * _A,), jnp.int32),
        pltpu.VMEM((_MPW,), jnp.float32),
        pltpu.VMEM((_MPW,), jnp.float32),
        pltpu.VMEM((_L,), jnp.float32),
    ],
    compiler_params=pltpu.CompilerParams(needs_layout_passes=False),
)(_tec_body)


@jax.jit
def kernel(species, energies, self_energies):
    table = jnp.pad(self_energies.astype(jnp.float32), (0, _L - self_energies.shape[0]))
    shifted = _shift(species.reshape(-1), energies, table)
    return species, shifted

# --- scband reference (transcript-rebuilt; emitter-appended) ---
"""Pipeline reference for scband-energy-shifter-4337916970008 (READ-ONLY COPY).

The authoritative reference and input builder live on the scoring server;
editing this copy changes nothing except your own understanding.
"""

import jax, jax.numpy as jnp
import numpy as np

NUM_MOLECULES = 16384
NUM_ATOMS = 200
NUM_SPECIES = 8

SELF_ENERGIES = [-0.600953, -38.08316, -54.7077, -75.194466, -398.10483, -99.80889, -460.14763, 0.0]


def setup_inputs(seed: int = 0) -> dict:
    key = jax.random.key(seed)
    k1, k2 = jax.random.split(key)
    # species: integer atomic-species indices per atom; -1 would denote padding
    species = jax.random.randint(k1, (NUM_MOLECULES, NUM_ATOMS), 0, NUM_SPECIES, dtype=jnp.int32)
    # energies: raw per-molecule energies from the NN potential
    energies = jax.random.normal(k2, (NUM_MOLECULES,), dtype=jnp.float32)
    # learned/fitted parameter of the EnergyAdder: one self-atomic-energy per species
    self_energies = jnp.asarray(SELF_ENERGIES, dtype=jnp.float32)
    return {"species": species, "energies": energies, "self_energies": self_energies}


def reference(species, energies, self_energies):
    # EnergyAdder: gather per-atom self energies (padding species < 0 contribute 0)
    mask = species >= 0
    safe_species = jnp.where(mask, species, 0)
    per_atom = jnp.take(self_energies, safe_species, axis=0)
    per_atom = jnp.where(mask, per_atom, 0.0)
    sae = per_atom.sum(axis=1)
    # EnergyShifter: shift the molecular energies by the summed self energies
    shifted = energies + sae
    return species, shifted

if __name__ == "__main__":
    import jax
    _d = setup_inputs()
    print(jax.jit(kernel)(*tuple(_d.values())))

</pallas_src>

<mosaic_0001>
#map = affine_map<(d0, d1) -> (0)>
module attributes {stable_mosaic.version = 14 : i64} {
  func.func @_tec_body(%arg0: i32, %arg1: i32, %arg2: memref<3276800xi32, #tpu.memory_space<hbm>>, %arg3: memref<16384xf32, #tpu.memory_space<hbm>>, %arg4: memref<16xf32, #tpu.memory_space<hbm>>, %arg5: memref<16384xf32, #tpu.memory_space<hbm>>, %arg6: memref<102400xi32, #tpu.memory_space<vmem>>, %arg7: memref<512xf32, #tpu.memory_space<vmem>>, %arg8: memref<512xf32, #tpu.memory_space<vmem>>, %arg9: memref<16xf32, #tpu.memory_space<vmem>>) attributes {dimension_semantics = [#tpu.dimension_semantics<core_parallel>, #tpu.dimension_semantics<subcore_parallel>], iteration_bounds = array<i64: 2, 16>, scalar_prefetch = 0 : i64, scratch_operands = 4 : i64, tpu.core_type = #tpu.core_type<sc_vector_subcore>, window_params = [{transform_indices = #map}, {transform_indices = #map}, {transform_indices = #map}, {transform_indices = #map}]} {
    %mul3A = arith.constant 2 : i32
    %mul3A_0 = arith.muli %arg1, %mul3A : i32
    %add3A = arith.addi %mul3A_0, %arg0 : i32
    %mul3A_1 = arith.constant 512 : i32
    %mul3A_2 = arith.muli %add3A, %mul3A_1 : i32
    "tpu.region"() ({
      %run_scoped3A = tpu.sem_alloc : memref<!tpu.dma_semaphore, #tpu.memory_space<semaphore_mem>>
      tpu.enqueue_dma source(%arg4 : memref<16xf32, #tpu.memory_space<hbm>>) target(%arg9 : memref<16xf32, #tpu.memory_space<vmem>>) target_semaphore(%run_scoped3A : memref<!tpu.dma_semaphore, #tpu.memory_space<semaphore_mem>>)
      tpu.wait_dma2 semaphore(%run_scoped3A : memref<!tpu.dma_semaphore, #tpu.memory_space<semaphore_mem>>) src(%arg4 : memref<16xf32, #tpu.memory_space<hbm>>) dst(%arg9 : memref<16xf32, #tpu.memory_space<vmem>>)
      tpu.yield
    }) : () -> ()
    "tpu.region"() ({
      %run_scoped3A = tpu.sem_alloc : memref<!tpu.dma_semaphore, #tpu.memory_space<semaphore_mem>>
      %dma_start3A = tpu.memref_slice %arg3[%mul3A_2] : memref<16384xf32, #tpu.memory_space<hbm>> -> memref<512xf32, #tpu.memory_space<hbm>>
      %dma_start3A_11 = tpu.memref_slice %arg3[%mul3A_2] : memref<16384xf32, #tpu.memory_space<hbm>> -> memref<512xf32, #tpu.memory_space<hbm>>
      tpu.enqueue_dma source(%dma_start3A_11 : memref<512xf32, #tpu.memory_space<hbm>>) target(%arg7 : memref<512xf32, #tpu.memory_space<vmem>>) target_semaphore(%run_scoped3A : memref<!tpu.dma_semaphore, #tpu.memory_space<semaphore_mem>>)
      %dma_wait3A = tpu.memref_slice %arg3[%mul3A_2] : memref<16384xf32, #tpu.memory_space<hbm>> -> memref<512xf32, #tpu.memory_space<hbm>>
      %dma_wait3A_12 = tpu.memref_slice %arg3[%mul3A_2] : memref<16384xf32, #tpu.memory_space<hbm>> -> memref<512xf32, #tpu.memory_space<hbm>>
      tpu.wait_dma2 semaphore(%run_scoped3A : memref<!tpu.dma_semaphore, #tpu.memory_space<semaphore_mem>>) src(%dma_wait3A_12 : memref<512xf32, #tpu.memory_space<hbm>>) dst(%arg7 : memref<512xf32, #tpu.memory_space<vmem>>)
      tpu.yield
    }) : () -> ()
    %mul3A_3 = arith.constant 200 : i32
    %mul3A_4 = arith.muli %mul3A_2, %mul3A_3 : i32
    "tpu.region"() ({
      %run_scoped3A = tpu.sem_alloc : memref<!tpu.dma_semaphore, #tpu.memory_space<semaphore_mem>>
      %dma_start3A = tpu.memref_slice %arg2[%mul3A_4] : memref<3276800xi32, #tpu.memory_space<hbm>> -> memref<102400xi32, #tpu.memory_space<hbm>>
      %dma_start3A_11 = tpu.memref_slice %arg2[%mul3A_4] : memref<3276800xi32, #tpu.memory_space<hbm>> -> memref<102400xi32, #tpu.memory_space<hbm>>
      tpu.enqueue_dma source(%dma_start3A_11 : memref<102400xi32, #tpu.memory_space<hbm>>) target(%arg6 : memref<102400xi32, #tpu.memory_space<vmem>>) target_semaphore(%run_scoped3A : memref<!tpu.dma_semaphore, #tpu.memory_space<semaphore_mem>>)
      %dma_wait3A = tpu.memref_slice %arg2[%mul3A_4] : memref<3276800xi32, #tpu.memory_space<hbm>> -> memref<102400xi32, #tpu.memory_space<hbm>>
      %dma_wait3A_12 = tpu.memref_slice %arg2[%mul3A_4] : memref<3276800xi32, #tpu.memory_space<hbm>> -> memref<102400xi32, #tpu.memory_space<hbm>>
      tpu.wait_dma2 semaphore(%run_scoped3A : memref<!tpu.dma_semaphore, #tpu.memory_space<semaphore_mem>>) src(%dma_wait3A_12 : memref<102400xi32, #tpu.memory_space<hbm>>) dst(%arg6 : memref<102400xi32, #tpu.memory_space<vmem>>)
      tpu.yield
    }) : () -> ()
    %get3A = arith.constant 0 : index
    %get3A_5 = tpu.vector_load %arg9[%get3A] {strides = array<i32>} : memref<16xf32, #tpu.memory_space<vmem>>, vector<16xf32>,
    %iota3A = tpu.iota {dimensions = array<i32: 0>} : vector<16xi32>
    %scan3A = arith.constant 0 : i32
    %scan3A_6 = arith.constant 0 : i32
    %scan3A_7 = arith.constant 32 : i32
    %scan3A_8 = arith.addi %scan3A_6, %scan3A_7 : i32
    %scan3A_9 = arith.constant 1 : i32
    scf.for %scan3A_11 = %scan3A_6 to %scan3A_8 step %scan3A_9  : i32 {
      %mul3A_12 = arith.constant 3200 : i32
      %mul3A_13 = arith.muli %scan3A_11, %mul3A_12 : i32
      %mul3A_14 = arith.constant 200 : i32
      %mul3A_15 = vector.broadcast %mul3A_14 : i32 to vector<16xi32>
      %mul3A_16 = arith.muli %iota3A, %mul3A_15 : vector<16xi32>
      %add3A_17 = vector.broadcast %mul3A_13 : i32 to vector<16xi32>
      %add3A_18 = arith.addi %add3A_17, %mul3A_16 : vector<16xi32>
      %broadcast_in_dim3A = arith.constant 0.000000e+00 : f32
      %broadcast_in_dim3A_19 = vector.broadcast %broadcast_in_dim3A : f32 to vector<16xf32>
      %scan3A_20 = arith.constant 0 : i32
      %scan3A_21 = arith.constant 25 : i32
      %scan3A_22 = arith.addi %scan3A_20, %scan3A_21 : i32
      %scan3A_23 = arith.constant 5 : i32
      %scan3A_24:2 = scf.for %scan3A_35 = %scan3A_20 to %scan3A_22 step %scan3A_23 iter_args(%scan3A_36 = %broadcast_in_dim3A_19, %scan3A_37 = %broadcast_in_dim3A_19) -> (vector<16xf32>, vector<16xf32>)  : i32 {
        %mul3A_38 = arith.constant 8 : i32
        %mul3A_39 = arith.muli %scan3A_35, %mul3A_38 : i32
        %add3A_40 = arith.constant 0 : i32
        %add3A_41 = arith.addi %mul3A_39, %add3A_40 : i32
        %add3A_42 = vector.broadcast %add3A_41 : i32 to vector<16xi32>
        %add3A_43 = arith.addi %add3A_18, %add3A_42 : vector<16xi32>
        %gather3A = tpu.vector_load_idx %arg6[%add3A_43] : memref<102400xi32, #tpu.memory_space<vmem>>[vector<16xi32>], vector<16xi32>,
        %lt3A = arith.constant 0 : i32
        %lt3A_44 = vector.broadcast %lt3A : i32 to vector<16xi32>
        %lt3A_45 = arith.cmpi slt, %gather3A, %lt3A_44 : vector<16xi32>
        %add3A_46 = arith.constant 16 : i32
        %add3A_47 = vector.broadcast %add3A_46 : i32 to vector<16xi32>
        %add3A_48 = arith.addi %gather3A, %add3A_47 : vector<16xi32>
        %select_n3A = arith.select %lt3A_45, %add3A_48, %gather3A : vector<16xi1>, vector<16xi32>
        %broadcast_in_dim3A_49 = vector.shape_cast %select_n3A : vector<16xi32> to vector<16x1xi32>
        %gather3A_50 = vector.shape_cast %broadcast_in_dim3A_49 : vector<16x1xi32> to vector<16xi32>
        %gather3A_51 = tpu.dynamic_gather %get3A_5[%gather3A_50] in [0] : vector<16xf32>, vector<16xi32> -> vector<16xf32>
        %add3A_52 = arith.constant 1 : i32
        %add3A_53 = arith.addi %mul3A_39, %add3A_52 : i32
        %add3A_54 = vector.broadcast %add3A_53 : i32 to vector<16xi32>
        %add3A_55 = arith.addi %add3A_18, %add3A_54 : vector<16xi32>
        %gather3A_56 = tpu.vector_load_idx %arg6[%add3A_55] : memref<102400xi32, #tpu.memory_space<vmem>>[vector<16xi32>], vector<16xi32>,
        %lt3A_57 = arith.constant 0 : i32
        %lt3A_58 = vector.broadcast %lt3A_57 : i32 to vector<16xi32>
        %lt3A_59 = arith.cmpi slt, %gather3A_56, %lt3A_58 : vector<16xi32>
        %add3A_60 = arith.constant 16 : i32
        %add3A_61 = vector.broadcast %add3A_60 : i32 to vector<16xi32>
        %add3A_62 = arith.addi %gather3A_56, %add3A_61 : vector<16xi32>
        %select_n3A_63 = arith.select %lt3A_59, %add3A_62, %gather3A_56 : vector<16xi1>, vector<16xi32>
        %broadcast_in_dim3A_64 = vector.shape_cast %select_n3A_63 : vector<16xi32> to vector<16x1xi32>
        %gather3A_65 = vector.shape_cast %broadcast_in_dim3A_64 : vector<16x1xi32> to vector<16xi32>
        %gather3A_66 = tpu.dynamic_gather %get3A_5[%gather3A_65] in [0] : vector<16xf32>, vector<16xi32> -> vector<16xf32>
        %add3A_67 = arith.constant 2 : i32
        %add3A_68 = arith.addi %mul3A_39, %add3A_67 : i32
        %add3A_69 = vector.broadcast %add3A_68 : i32 to vector<16xi32>
        %add3A_70 = arith.addi %add3A_18, %add3A_69 : vector<16xi32>
        %gather3A_71 = tpu.vector_load_idx %arg6[%add3A_70] : memref<102400xi32, #tpu.memory_space<vmem>>[vector<16xi32>], vector<16xi32>,
        %lt3A_72 = arith.constant 0 : i32
        %lt3A_73 = vector.broadcast %lt3A_72 : i32 to vector<16xi32>
        %lt3A_74 = arith.cmpi slt, %gather3A_71, %lt3A_73 : vector<16xi32>
        %add3A_75 = arith.constant 16 : i32
        %add3A_76 = vector.broadcast %add3A_75 : i32 to vector<16xi32>
        %add3A_77 = arith.addi %gather3A_71, %add3A_76 : vector<16xi32>
        %select_n3A_78 = arith.select %lt3A_74, %add3A_77, %gather3A_71 : vector<16xi1>, vector<16xi32>
        %broadcast_in_dim3A_79 = vector.shape_cast %select_n3A_78 : vector<16xi32> to vector<16x1xi32>
        %gather3A_80 = vector.shape_cast %broadcast_in_dim3A_79 : vector<16x1xi32> to vector<16xi32>
        %gather3A_81 = tpu.dynamic_gather %get3A_5[%gather3A_80] in [0] : vector<16xf32>, vector<16xi32> -> vector<16xf32>
        %add3A_82 = arith.constant 3 : i32
        %add3A_83 = arith.addi %mul3A_39, %add3A_82 : i32
        %add3A_84 = vector.broadcast %add3A_83 : i32 to vector<16xi32>
        %add3A_85 = arith.addi %add3A_18, %add3A_84 : vector<16xi32>
        %gather3A_86 = tpu.vector_load_idx %arg6[%add3A_85] : memref<102400xi32, #tpu.memory_space<vmem>>[vector<16xi32>], vector<16xi32>,
        %lt3A_87 = arith.constant 0 : i32
        %lt3A_88 = vector.broadcast %lt3A_87 : i32 to vector<16xi32>
        %lt3A_89 = arith.cmpi slt, %gather3A_86, %lt3A_88 : vector<16xi32>
        %add3A_90 = arith.constant 16 : i32
        %add3A_91 = vector.broadcast %add3A_90 : i32 to vector<16xi32>
        %add3A_92 = arith.addi %gather3A_86, %add3A_91 : vector<16xi32>
        %select_n3A_93 = arith.select %lt3A_89, %add3A_92, %gather3A_86 : vector<16xi1>, vector<16xi32>
        %broadcast_in_dim3A_94 = vector.shape_cast %select_n3A_93 : vector<16xi32> to vector<16x1xi32>
        %gather3A_95 = vector.shape_cast %broadcast_in_dim3A_94 : vector<16x1xi32> to vector<16xi32>
        %gather3A_96 = tpu.dynamic_gather %get3A_5[%gather3A_95] in [0] : vector<16xf32>, vector<16xi32> -> vector<16xf32>
        %add3A_97 = arith.constant 4 : i32
        %add3A_98 = arith.addi %mul3A_39, %add3A_97 : i32
        %add3A_99 = vector.broadcast %add3A_98 : i32 to vector<16xi32>
        %add3A_100 = arith.addi %add3A_18, %add3A_99 : vector<16xi32>
        %gather3A_101 = tpu.vector_load_idx %arg6[%add3A_100] : memref<102400xi32, #tpu.memory_space<vmem>>[vector<16xi32>], vector<16xi32>,
        %lt3A_102 = arith.constant 0 : i32
        %lt3A_103 = vector.broadcast %lt3A_102 : i32 to vector<16xi32>
        %lt3A_104 = arith.cmpi slt, %gather3A_101, %lt3A_103 : vector<16xi32>
        %add3A_105 = arith.constant 16 : i32
        %add3A_106 = vector.broadcast %add3A_105 : i32 to vector<16xi32>
        %add3A_107 = arith.addi %gather3A_101, %add3A_106 : vector<16xi32>
        %select_n3A_108 = arith.select %lt3A_104, %add3A_107, %gather3A_101 : vector<16xi1>, vector<16xi32>
        %broadcast_in_dim3A_109 = vector.shape_cast %select_n3A_108 : vector<16xi32> to vector<16x1xi32>
        %gather3A_110 = vector.shape_cast %broadcast_in_dim3A_109 : vector<16x1xi32> to vector<16xi32>
        %gather3A_111 = tpu.dynamic_gather %get3A_5[%gather3A_110] in [0] : vector<16xf32>, vector<16xi32> -> vector<16xf32>
        %add3A_112 = arith.constant 5 : i32
        %add3A_113 = arith.addi %mul3A_39, %add3A_112 : i32
        %add3A_114 = vector.broadcast %add3A_113 : i32 to vector<16xi32>
        %add3A_115 = arith.addi %add3A_18, %add3A_114 : vector<16xi32>
        %gather3A_116 = tpu.vector_load_idx %arg6[%add3A_115] : memref<102400xi32, #tpu.memory_space<vmem>>[vector<16xi32>], vector<16xi32>,
        %lt3A_117 = arith.constant 0 : i32
        %lt3A_118 = vector.broadcast %lt3A_117 : i32 to vector<16xi32>
        %lt3A_119 = arith.cmpi slt, %gather3A_116, %lt3A_118 : vector<16xi32>
        %add3A_120 = arith.constant 16 : i32
        %add3A_121 = vector.broadcast %add3A_120 : i32 to vector<16xi32>
        %add3A_122 = arith.addi %gather3A_116, %add3A_121 : vector<16xi32>
        %select_n3A_123 = arith.select %lt3A_119, %add3A_122, %gather3A_116 : vector<16xi1>, vector<16xi32>
        %broadcast_in_dim3A_124 = vector.shape_cast %select_n3A_123 : vector<16xi32> to vector<16x1xi32>
        %gather3A_125 = vector.shape_cast %broadcast_in_dim3A_124 : vector<16x1xi32> to vector<16xi32>
        %gather3A_126 = tpu.dynamic_gather %get3A_5[%gather3A_125] in [0] : vector<16xf32>, vector<16xi32> -> vector<16xf32>
        %add3A_127 = arith.constant 6 : i32
        %add3A_128 = arith.addi %mul3A_39, %add3A_127 : i32
        %add3A_129 = vector.broadcast %add3A_128 : i32 to vector<16xi32>
        %add3A_130 = arith.addi %add3A_18, %add3A_129 : vector<16xi32>
        %gather3A_131 = tpu.vector_load_idx %arg6[%add3A_130] : memref<102400xi32, #tpu.memory_space<vmem>>[vector<16xi32>], vector<16xi32>,
        %lt3A_132 = arith.constant 0 : i32
        %lt3A_133 = vector.broadcast %lt3A_132 : i32 to vector<16xi32>
        %lt3A_134 = arith.cmpi slt, %gather3A_131, %lt3A_133 : vector<16xi32>
        %add3A_135 = arith.constant 16 : i32
        %add3A_136 = vector.broadcast %add3A_135 : i32 to vector<16xi32>
        %add3A_137 = arith.addi %gather3A_131, %add3A_136 : vector<16xi32>
        %select_n3A_138 = arith.select %lt3A_134, %add3A_137, %gather3A_131 : vector<16xi1>, vector<16xi32>
        %broadcast_in_dim3A_139 = vector.shape_cast %select_n3A_138 : vector<16xi32> to vector<16x1xi32>
        %gather3A_140 = vector.shape_cast %broadcast_in_dim3A_139 : vector<16x1xi32> to vector<16xi32>
        %gather3A_141 = tpu.dynamic_gather %get3A_5[%gather3A_140] in [0] : vector<16xf32>, vector<16xi32> -> vector<16xf32>
        %add3A_142 = arith.constant 7 : i32
        %add3A_143 = arith.addi %mul3A_39, %add3A_142 : i32
        %add3A_144 = vector.broadcast %add3A_143 : i32 to vector<16xi32>
        %add3A_145 = arith.addi %add3A_18, %add3A_144 : vector<16xi32>
        %gather3A_146 = tpu.vector_load_idx %arg6[%add3A_145] : memref<102400xi32, #tpu.memory_space<vmem>>[vector<16xi32>], vector<16xi32>,
        %lt3A_147 = arith.constant 0 : i32
        %lt3A_148 = vector.broadcast %lt3A_147 : i32 to vector<16xi32>
        %lt3A_149 = arith.cmpi slt, %gather3A_146, %lt3A_148 : vector<16xi32>
        %add3A_150 = arith.constant 16 : i32
        %add3A_151 = vector.broadcast %add3A_150 : i32 to vector<16xi32>
        %add3A_152 = arith.addi %gather3A_146, %add3A_151 : vector<16xi32>
        %select_n3A_153 = arith.select %lt3A_149, %add3A_152, %gather3A_146 : vector<16xi1>, vector<16xi32>
        %broadcast_in_dim3A_154 = vector.shape_cast %select_n3A_153 : vector<16xi32> to vector<16x1xi32>
        %gather3A_155 = vector.shape_cast %broadcast_in_dim3A_154 : vector<16x1xi32> to vector<16xi32>
        %gather3A_156 = tpu.dynamic_gather %get3A_5[%gather3A_155] in [0] : vector<16xf32>, vector<16xi32> -> vector<16xf32>
        %add3A_157 = arith.addf %gather3A_51, %gather3A_66 : vector<16xf32>
        %add3A_158 = arith.addf %gather3A_81, %gather3A_96 : vector<16xf32>
        %add3A_159 = arith.addf %add3A_157, %add3A_158 : vector<16xf32>
        %add3A_160 = arith.addf %gather3A_111, %gather3A_126 : vector<16xf32>
        %add3A_161 = arith.addf %gather3A_141, %gather3A_156 : vector<16xf32>
        %add3A_162 = arith.addf %add3A_160, %add3A_161 : vector<16xf32>
        %add3A_163 = arith.addf %scan3A_36, %add3A_159 : vector<16xf32>
        %add3A_164 = arith.addf %scan3A_37, %add3A_162 : vector<16xf32>
        %scan3A_165 = arith.constant 1 : i32
        %scan3A_166 = arith.addi %scan3A_35, %scan3A_165 : i32
        %mul3A_167 = arith.constant 8 : i32
        %mul3A_168 = arith.muli %scan3A_166, %mul3A_167 : i32
        %add3A_169 = arith.constant 0 : i32
        %add3A_170 = arith.addi %mul3A_168, %add3A_169 : i32
        %add3A_171 = vector.broadcast %add3A_170 : i32 to vector<16xi32>
        %add3A_172 = arith.addi %add3A_18, %add3A_171 : vector<16xi32>
        %gather3A_173 = tpu.vector_load_idx %arg6[%add3A_172] : memref<102400xi32, #tpu.memory_space<vmem>>[vector<16xi32>], vector<16xi32>,
        %lt3A_174 = arith.constant 0 : i32
        %lt3A_175 = vector.broadcast %lt3A_174 : i32 to vector<16xi32>
        %lt3A_176 = arith.cmpi slt, %gather3A_173, %lt3A_175 : vector<16xi32>
        %add3A_177 = arith.constant 16 : i32
        %add3A_178 = vector.broadcast %add3A_177 : i32 to vector<16xi32>
        %add3A_179 = arith.addi %gather3A_173, %add3A_178 : vector<16xi32>
        %select_n3A_180 = arith.select %lt3A_176, %add3A_179, %gather3A_173 : vector<16xi1>, vector<16xi32>
        %broadcast_in_dim3A_181 = vector.shape_cast %select_n3A_180 : vector<16xi32> to vector<16x1xi32>
        %gather3A_182 = vector.shape_cast %broadcast_in_dim3A_181 : vector<16x1xi32> to vector<16xi32>
        %gather3A_183 = tpu.dynamic_gather %get3A_5[%gather3A_182] in [0] : vector<16xf32>, vector<16xi32> -> vector<16xf32>
        %add3A_184 = arith.constant 1 : i32
        %add3A_185 = arith.addi %mul3A_168, %add3A_184 : i32
        %add3A_186 = vector.broadcast %add3A_185 : i32 to vector<16xi32>
        %add3A_187 = arith.addi %add3A_18, %add3A_186 : vector<16xi32>
        %gather3A_188 = tpu.vector_load_idx %arg6[%add3A_187] : memref<102400xi32, #tpu.memory_space<vmem>>[vector<16xi32>], vector<16xi32>,
        %lt3A_189 = arith.constant 0 : i32
        %lt3A_190 = vector.broadcast %lt3A_189 : i32 to vector<16xi32>
        %lt3A_191 = arith.cmpi slt, %gather3A_188, %lt3A_190 : vector<16xi32>
        %add3A_192 = arith.constant 16 : i32
        %add3A_193 = vector.broadcast %add3A_192 : i32 to vector<16xi32>
        %add3A_194 = arith.addi %gather3A_188, %add3A_193 : vector<16xi32>
        %select_n3A_195 = arith.select %lt3A_191, %add3A_194, %gather3A_188 : vector<16xi1>, vector<16xi32>
        %broadcast_in_dim3A_196 = vector.shape_cast %select_n3A_195 : vector<16xi32> to vector<16x1xi32>
        %gather3A_197 = vector.shape_cast %broadcast_in_dim3A_196 : vector<16x1xi32> to vector<16xi32>
        %gather3A_198 = tpu.dynamic_gather %get3A_5[%gather3A_197] in [0] : vector<16xf32>, vector<16xi32> -> vector<16xf32>
        %add3A_199 = arith.constant 2 : i32
        %add3A_200 = arith.addi %mul3A_168, %add3A_199 : i32
        %add3A_201 = vector.broadcast %add3A_200 : i32 to vector<16xi32>
        %add3A_202 = arith.addi %add3A_18, %add3A_201 : vector<16xi32>
        %gather3A_203 = tpu.vector_load_idx %arg6[%add3A_202] : memref<102400xi32, #tpu.memory_space<vmem>>[vector<16xi32>], vector<16xi32>,
        %lt3A_204 = arith.constant 0 : i32
        %lt3A_205 = vector.broadcast %lt3A_204 : i32 to vector<16xi32>
        %lt3A_206 = arith.cmpi slt, %gather3A_203, %lt3A_205 : vector<16xi32>
        %add3A_207 = arith.constant 16 : i32
        %add3A_208 = vector.broadcast %add3A_207 : i32 to vector<16xi32>
        %add3A_209 = arith.addi %gather3A_203, %add3A_208 : vector<16xi32>
        %select_n3A_210 = arith.select %lt3A_206, %add3A_209, %gather3A_203 : vector<16xi1>, vector<16xi32>
        %broadcast_in_dim3A_211 = vector.shape_cast %select_n3A_210 : vector<16xi32> to vector<16x1xi32>
        %gather3A_212 = vector.shape_cast %broadcast_in_dim3A_211 : vector<16x1xi32> to vector<16xi32>
        %gather3A_213 = tpu.dynamic_gather %get3A_5[%gather3A_212] in [0] : vector<16xf32>, vector<16xi32> -> vector<16xf32>
        %add3A_214 = arith.constant 3 : i32
        %add3A_215 = arith.addi %mul3A_168, %add3A_214 : i32
        %add3A_216 = vector.broadcast %add3A_215 : i32 to vector<16xi32>
        %add3A_217 = arith.addi %add3A_18, %add3A_216 : vector<16xi32>
        %gather3A_218 = tpu.vector_load_idx %arg6[%add3A_217] : memref<102400xi32, #tpu.memory_space<vmem>>[vector<16xi32>], vector<16xi32>,
        %lt3A_219 = arith.constant 0 : i32
        %lt3A_220 = vector.broadcast %lt3A_219 : i32 to vector<16xi32>
        %lt3A_221 = arith.cmpi slt, %gather3A_218, %lt3A_220 : vector<16xi32>
        %add3A_222 = arith.constant 16 : i32
        %add3A_223 = vector.broadcast %add3A_222 : i32 to vector<16xi32>
        %add3A_224 = arith.addi %gather3A_218, %add3A_223 : vector<16xi32>
        %select_n3A_225 = arith.select %lt3A_221, %add3A_224, %gather3A_218 : vector<16xi1>, vector<16xi32>
        %broadcast_in_dim3A_226 = vector.shape_cast %select_n3A_225 : vector<16xi32> to vector<16x1xi32>
        %gather3A_227 = vector.shape_cast %broadcast_in_dim3A_226 : vector<16x1xi32> to vector<16xi32>
        %gather3A_228 = tpu.dynamic_gather %get3A_5[%gather3A_227] in [0] : vector<16xf32>, vector<16xi32> -> vector<16xf32>
        %add3A_229 = arith.constant 4 : i32
        %add3A_230 = arith.addi %mul3A_168, %add3A_229 : i32
        %add3A_231 = vector.broadcast %add3A_230 : i32 to vector<16xi32>
        %add3A_232 = arith.addi %add3A_18, %add3A_231 : vector<16xi32>
        %gather3A_233 = tpu.vector_load_idx %arg6[%add3A_232] : memref<102400xi32, #tpu.memory_space<vmem>>[vector<16xi32>], vector<16xi32>,
        %lt3A_234 = arith.constant 0 : i32
        %lt3A_235 = vector.broadcast %lt3A_234 : i32 to vector<16xi32>
        %lt3A_236 = arith.cmpi slt, %gather3A_233, %lt3A_235 : vector<16xi32>
        %add3A_237 = arith.constant 16 : i32
        %add3A_238 = vector.broadcast %add3A_237 : i32 to vector<16xi32>
        %add3A_239 = arith.addi %gather3A_233, %add3A_238 : vector<16xi32>
        %select_n3A_240 = arith.select %lt3A_236, %add3A_239, %gather3A_233 : vector<16xi1>, vector<16xi32>
        %broadcast_in_dim3A_241 = vector.shape_cast %select_n3A_240 : vector<16xi32> to vector<16x1xi32>
        %gather3A_242 = vector.shape_cast %broadcast_in_dim3A_241 : vector<16x1xi32> to vector<16xi32>
        %gather3A_243 = tpu.dynamic_gather %get3A_5[%gather3A_242] in [0] : vector<16xf32>, vector<16xi32> -> vector<16xf32>
        %add3A_244 = arith.constant 5 : i32
        %add3A_245 = arith.addi %mul3A_168, %add3A_244 : i32
        %add3A_246 = vector.broadcast %add3A_245 : i32 to vector<16xi32>
        %add3A_247 = arith.addi %add3A_18, %add3A_246 : vector<16xi32>
        %gather3A_248 = tpu.vector_load_idx %arg6[%add3A_247] : memref<102400xi32, #tpu.memory_space<vmem>>[vector<16xi32>], vector<16xi32>,
        %lt3A_249 = arith.constant 0 : i32
        %lt3A_250 = vector.broadcast %lt3A_249 : i32 to vector<16xi32>
        %lt3A_251 = arith.cmpi slt, %gather3A_248, %lt3A_250 : vector<16xi32>
        %add3A_252 = arith.constant 16 : i32
        %add3A_253 = vector.broadcast %add3A_252 : i32 to vector<16xi32>
        %add3A_254 = arith.addi %gather3A_248, %add3A_253 : vector<16xi32>
        %select_n3A_255 = arith.select %lt3A_251, %add3A_254, %gather3A_248 : vector<16xi1>, vector<16xi32>
        %broadcast_in_dim3A_256 = vector.shape_cast %select_n3A_255 : vector<16xi32> to vector<16x1xi32>
        %gather3A_257 = vector.shape_cast %broadcast_in_dim3A_256 : vector<16x1xi32> to vector<16xi32>
        %gather3A_258 = tpu.dynamic_gather %get3A_5[%gather3A_257] in [0] : vector<16xf32>, vector<16xi32> -> vector<16xf32>
        %add3A_259 = arith.constant 6 : i32
        %add3A_260 = arith.addi %mul3A_168, %add3A_259 : i32
        %add3A_261 = vector.broadcast %add3A_260 : i32 to vector<16xi32>
        %add3A_262 = arith.addi %add3A_18, %add3A_261 : vector<16xi32>
        %gather3A_263 = tpu.vector_load_idx %arg6[%add3A_262] : memref<102400xi32, #tpu.memory_space<vmem>>[vector<16xi32>], vector<16xi32>,
        %lt3A_264 = arith.constant 0 : i32
        %lt3A_265 = vector.broadcast %lt3A_264 : i32 to vector<16xi32>
        %lt3A_266 = arith.cmpi slt, %gather3A_263, %lt3A_265 : vector<16xi32>
        %add3A_267 = arith.constant 16 : i32
        %add3A_268 = vector.broadcast %add3A_267 : i32 to vector<16xi32>
        %add3A_269 = arith.addi %gather3A_263, %add3A_268 : vector<16xi32>
        %select_n3A_270 = arith.select %lt3A_266, %add3A_269, %gather3A_263 : vector<16xi1>, vector<16xi32>
        %broadcast_in_dim3A_271 = vector.shape_cast %select_n3A_270 : vector<16xi32> to vector<16x1xi32>
        %gather3A_272 = vector.shape_cast %broadcast_in_dim3A_271 : vector<16x1xi32> to vector<16xi32>
        %gather3A_273 = tpu.dynamic_gather %get3A_5[%gather3A_272] in [0] : vector<16xf32>, vector<16xi32> -> vector<16xf32>
        %add3A_274 = arith.constant 7 : i32
        %add3A_275 = arith.addi %mul3A_168, %add3A_274 : i32
        %add3A_276 = vector.broadcast %add3A_275 : i32 to vector<16xi32>
        %add3A_277 = arith.addi %add3A_18, %add3A_276 : vector<16xi32>
        %gather3A_278 = tpu.vector_load_idx %arg6[%add3A_277] : memref<102400xi32, #tpu.memory_space<vmem>>[vector<16xi32>], vector<16xi32>,
        %lt3A_279 = arith.constant 0 : i32
        %lt3A_280 = vector.broadcast %lt3A_279 : i32 to vector<16xi32>
        %lt3A_281 = arith.cmpi slt, %gather3A_278, %lt3A_280 : vector<16xi32>
        %add3A_282 = arith.constant 16 : i32
        %add3A_283 = vector.broadcast %add3A_282 : i32 to vector<16xi32>
        %add3A_284 = arith.addi %gather3A_278, %add3A_283 : vector<16xi32>
        %select_n3A_285 = arith.select %lt3A_281, %add3A_284, %gather3A_278 : vector<16xi1>, vector<16xi32>
        %broadcast_in_dim3A_286 = vector.shape_cast %select_n3A_285 : vector<16xi32> to vector<16x1xi32>
        %gather3A_287 = vector.shape_cast %broadcast_in_dim3A_286 : vector<16x1xi32> to vector<16xi32>
        %gather3A_288 = tpu.dynamic_gather %get3A_5[%gather3A_287] in [0] : vector<16xf32>, vector<16xi32> -> vector<16xf32>
        %add3A_289 = arith.addf %gather3A_183, %gather3A_198 : vector<16xf32>
        %add3A_290 = arith.addf %gather3A_213, %gather3A_228 : vector<16xf32>
        %add3A_291 = arith.addf %add3A_289, %add3A_290 : vector<16xf32>
        %add3A_292 = arith.addf %gather3A_243, %gather3A_258 : vector<16xf32>
        %add3A_293 = arith.addf %gather3A_273, %gather3A_288 : vector<16xf32>
        %add3A_294 = arith.addf %add3A_292, %add3A_293 : vector<16xf32>
        %add3A_295 = arith.addf %add3A_163, %add3A_291 : vector<16xf32>
        %add3A_296 = arith.addf %add3A_164, %add3A_294 : vector<16xf32>
        %scan3A_297 = arith.constant 2 : i32
        %scan3A_298 = arith.addi %scan3A_35, %scan3A_297 : i32
        %mul3A_299 = arith.constant 8 : i32
        %mul3A_300 = arith.muli %scan3A_298, %mul3A_299 : i32
        %add3A_301 = arith.constant 0 : i32
        %add3A_302 = arith.addi %mul3A_300, %add3A_301 : i32
        %add3A_303 = vector.broadcast %add3A_302 : i32 to vector<16xi32>
        %add3A_304 = arith.addi %add3A_18, %add3A_303 : vector<16xi32>
        %gather3A_305 = tpu.vector_load_idx %arg6[%add3A_304] : memref<102400xi32, #tpu.memory_space<vmem>>[vector<16xi32>], vector<16xi32>,
        %lt3A_306 = arith.constant 0 : i32
        %lt3A_307 = vector.broadcast %lt3A_306 : i32 to vector<16xi32>
        %lt3A_308 = arith.cmpi slt, %gather3A_305, %lt3A_307 : vector<16xi32>
        %add3A_309 = arith.constant 16 : i32
        %add3A_310 = vector.broadcast %add3A_309 : i32 to vector<16xi32>
        %add3A_311 = arith.addi %gather3A_305, %add3A_310 : vector<16xi32>
        %select_n3A_312 = arith.select %lt3A_308, %add3A_311, %gather3A_305 : vector<16xi1>, vector<16xi32>
        %broadcast_in_dim3A_313 = vector.shape_cast %select_n3A_312 : vector<16xi32> to vector<16x1xi32>
        %gather3A_314 = vector.shape_cast %broadcast_in_dim3A_313 : vector<16x1xi32> to vector<16xi32>
        %gather3A_315 = tpu.dynamic_gather %get3A_5[%gather3A_314] in [0] : vector<16xf32>, vector<16xi32> -> vector<16xf32>
        %add3A_316 = arith.constant 1 : i32
        %add3A_317 = arith.addi %mul3A_300, %add3A_316 : i32
        %add3A_318 = vector.broadcast %add3A_317 : i32 to vector<16xi32>
        %add3A_319 = arith.addi %add3A_18, %add3A_318 : vector<16xi32>
        %gather3A_320 = tpu.vector_load_idx %arg6[%add3A_319] : memref<102400xi32, #tpu.memory_space<vmem>>[vector<16xi32>], vector<16xi32>,
        %lt3A_321 = arith.constant 0 : i32
        %lt3A_322 = vector.broadcast %lt3A_321 : i32 to vector<16xi32>
        %lt3A_323 = arith.cmpi slt, %gather3A_320, %lt3A_322 : vector<16xi32>
        %add3A_324 = arith.constant 16 : i32
        %add3A_325 = vector.broadcast %add3A_324 : i32 to vector<16xi32>
        %add3A_326 = arith.addi %gather3A_320, %add3A_325 : vector<16xi32>
        %select_n3A_327 = arith.select %lt3A_323, %add3A_326, %gather3A_320 : vector<16xi1>, vector<16xi32>
        %broadcast_in_dim3A_328 = vector.shape_cast %select_n3A_327 : vector<16xi32> to vector<16x1xi32>
        %gather3A_329 = vector.shape_cast %broadcast_in_dim3A_328 : vector<16x1xi32> to vector<16xi32>
        %gather3A_330 = tpu.dynamic_gather %get3A_5[%gather3A_329] in [0] : vector<16xf32>, vector<16xi32> -> vector<16xf32>
        %add3A_331 = arith.constant 2 : i32
        %add3A_332 = arith.addi %mul3A_300, %add3A_331 : i32
        %add3A_333 = vector.broadcast %add3A_332 : i32 to vector<16xi32>
        %add3A_334 = arith.addi %add3A_18, %add3A_333 : vector<16xi32>
        %gather3A_335 = tpu.vector_load_idx %arg6[%add3A_334] : memref<102400xi32, #tpu.memory_space<vmem>>[vector<16xi32>], vector<16xi32>,
        %lt3A_336 = arith.constant 0 : i32
        %lt3A_337 = vector.broadcast %lt3A_336 : i32 to vector<16xi32>
        %lt3A_338 = arith.cmpi slt, %gather3A_335, %lt3A_337 : vector<16xi32>
        %add3A_339 = arith.constant 16 : i32
        %add3A_340 = vector.broadcast %add3A_339 : i32 to vector<16xi32>
        %add3A_341 = arith.addi %gather3A_335, %add3A_340 : vector<16xi32>
        %select_n3A_342 = arith.select %lt3A_338, %add3A_341, %gather3A_335 : vector<16xi1>, vector<16xi32>
        %broadcast_in_dim3A_343 = vector.shape_cast %select_n3A_342 : vector<16xi32> to vector<16x1xi32>
        %gather3A_344 = vector.shape_cast %broadcast_in_dim3A_343 : vector<16x1xi32> to vector<16xi32>
        %gather3A_345 = tpu.dynamic_gather %get3A_5[%gather3A_344] in [0] : vector<16xf32>, vector<16xi32> -> vector<16xf32>
        %add3A_346 = arith.constant 3 : i32
        %add3A_347 = arith.addi %mul3A_300, %add3A_346 : i32
        %add3A_348 = vector.broadcast %add3A_347 : i32 to vector<16xi32>
        %add3A_349 = arith.addi %add3A_18, %add3A_348 : vector<16xi32>
        %gather3A_350 = tpu.vector_load_idx %arg6[%add3A_349] : memref<102400xi32, #tpu.memory_space<vmem>>[vector<16xi32>], vector<16xi32>,
        %lt3A_351 = arith.constant 0 : i32
        %lt3A_352 = vector.broadcast %lt3A_351 : i32 to vector<16xi32>
        %lt3A_353 = arith.cmpi slt, %gather3A_350, %lt3A_352 : vector<16xi32>
        %add3A_354 = arith.constant 16 : i32
        %add3A_355 = vector.broadcast %add3A_354 : i32 to vector<16xi32>
        %add3A_356 = arith.addi %gather3A_350, %add3A_355 : vector<16xi32>
        %select_n3A_357 = arith.select %lt3A_353, %add3A_356, %gather3A_350 : vector<16xi1>, vector<16xi32>
        %broadcast_in_dim3A_358 = vector.shape_cast %select_n3A_357 : vector<16xi32> to vector<16x1xi32>
        %gather3A_359 = vector.shape_cast %broadcast_in_dim3A_358 : vector<16x1xi32> to vector<16xi32>
        %gather3A_360 = tpu.dynamic_gather %get3A_5[%gather3A_359] in [0] : vector<16xf32>, vector<16xi32> -> vector<16xf32>
        %add3A_361 = arith.constant 4 : i32
        %add3A_362 = arith.addi %mul3A_300, %add3A_361 : i32
        %add3A_363 = vector.broadcast %add3A_362 : i32 to vector<16xi32>
        %add3A_364 = arith.addi %add3A_18, %add3A_363 : vector<16xi32>
        %gather3A_365 = tpu.vector_load_idx %arg6[%add3A_364] : memref<102400xi32, #tpu.memory_space<vmem>>[vector<16xi32>], vector<16xi32>,
        %lt3A_366 = arith.constant 0 : i32
        %lt3A_367 = vector.broadcast %lt3A_366 : i32 to vector<16xi32>
        %lt3A_368 = arith.cmpi slt, %gather3A_365, %lt3A_367 : vector<16xi32>
        %add3A_369 = arith.constant 16 : i32
        %add3A_370 = vector.broadcast %add3A_369 : i32 to vector<16xi32>
        %add3A_371 = arith.addi %gather3A_365, %add3A_370 : vector<16xi32>
        %select_n3A_372 = arith.select %lt3A_368, %add3A_371, %gather3A_365 : vector<16xi1>, vector<16xi32>
        %broadcast_in_dim3A_373 = vector.shape_cast %select_n3A_372 : vector<16xi32> to vector<16x1xi32>
        %gather3A_374 = vector.shape_cast %broadcast_in_dim3A_373 : vector<16x1xi32> to vector<16xi32>
        %gather3A_375 = tpu.dynamic_gather %get3A_5[%gather3A_374] in [0] : vector<16xf32>, vector<16xi32> -> vector<16xf32>
        %add3A_376 = arith.constant 5 : i32
        %add3A_377 = arith.addi %mul3A_300, %add3A_376 : i32
        %add3A_378 = vector.broadcast %add3A_377 : i32 to vector<16xi32>
        %add3A_379 = arith.addi %add3A_18, %add3A_378 : vector<16xi32>
        %gather3A_380 = tpu.vector_load_idx %arg6[%add3A_379] : memref<102400xi32, #tpu.memory_space<vmem>>[vector<16xi32>], vector<16xi32>,
        %lt3A_381 = arith.constant 0 : i32
        %lt3A_382 = vector.broadcast %lt3A_381 : i32 to vector<16xi32>
        %lt3A_383 = arith.cmpi slt, %gather3A_380, %lt3A_382 : vector<16xi32>
        %add3A_384 = arith.constant 16 : i32
        %add3A_385 = vector.broadcast %add3A_384 : i32 to vector<16xi32>
        %add3A_386 = arith.addi %gather3A_380, %add3A_385 : vector<16xi32>
        %select_n3A_387 = arith.select %lt3A_383, %add3A_386, %gather3A_380 : vector<16xi1>, vector<16xi32>
        %broadcast_in_dim3A_388 = vector.shape_cast %select_n3A_387 : vector<16xi32> to vector<16x1xi32>
        %gather3A_389 = vector.shape_cast %broadcast_in_dim3A_388 : vector<16x1xi32> to vector<16xi32>
        %gather3A_390 = tpu.dynamic_gather %get3A_5[%gather3A_389] in [0] : vector<16xf32>, vector<16xi32> -> vector<16xf32>
        %add3A_391 = arith.constant 6 : i32
        %add3A_392 = arith.addi %mul3A_300, %add3A_391 : i32
        %add3A_393 = vector.broadcast %add3A_392 : i32 to vector<16xi32>
        %add3A_394 = arith.addi %add3A_18, %add3A_393 : vector<16xi32>
        %gather3A_395 = tpu.vector_load_idx %arg6[%add3A_394] : memref<102400xi32, #tpu.memory_space<vmem>>[vector<16xi32>], vector<16xi32>,
        %lt3A_396 = arith.constant 0 : i32
        %lt3A_397 = vector.broadcast %lt3A_396 : i32 to vector<16xi32>
        %lt3A_398 = arith.cmpi slt, %gather3A_395, %lt3A_397 : vector<16xi32>
        %add3A_399 = arith.constant 16 : i32
        %add3A_400 = vector.broadcast %add3A_399 : i32 to vector<16xi32>
        %add3A_401 = arith.addi %gather3A_395, %add3A_400 : vector<16xi32>
        %select_n3A_402 = arith.select %lt3A_398, %add3A_401, %gather3A_395 : vector<16xi1>, vector<16xi32>
        %broadcast_in_dim3A_403 = vector.shape_cast %select_n3A_402 : vector<16xi32> to vector<16x1xi32>
        %gather3A_404 = vector.shape_cast %broadcast_in_dim3A_403 : vector<16x1xi32> to vector<16xi32>
        %gather3A_405 = tpu.dynamic_gather %get3A_5[%gather3A_404] in [0] : vector<16xf32>, vector<16xi32> -> vector<16xf32>
        %add3A_406 = arith.constant 7 : i32
        %add3A_407 = arith.addi %mul3A_300, %add3A_406 : i32
        %add3A_408 = vector.broadcast %add3A_407 : i32 to vector<16xi32>
        %add3A_409 = arith.addi %add3A_18, %add3A_408 : vector<16xi32>
        %gather3A_410 = tpu.vector_load_idx %arg6[%add3A_409] : memref<102400xi32, #tpu.memory_space<vmem>>[vector<16xi32>], vector<16xi32>,
        %lt3A_411 = arith.constant 0 : i32
        %lt3A_412 = vector.broadcast %lt3A_411 : i32 to vector<16xi32>
        %lt3A_413 = arith.cmpi slt, %gather3A_410, %lt3A_412 : vector<16xi32>
        %add3A_414 = arith.constant 16 : i32
        %add3A_415 = vector.broadcast %add3A_414 : i32 to vector<16xi32>
        %add3A_416 = arith.addi %gather3A_410, %add3A_415 : vector<16xi32>
        %select_n3A_417 = arith.select %lt3A_413, %add3A_416, %gather3A_410 : vector<16xi1>, vector<16xi32>
        %broadcast_in_dim3A_418 = vector.shape_cast %select_n3A_417 : vector<16xi32> to vector<16x1xi32>
        %gather3A_419 = vector.shape_cast %broadcast_in_dim3A_418 : vector<16x1xi32> to vector<16xi32>
        %gather3A_420 = tpu.dynamic_gather %get3A_5[%gather3A_419] in [0] : vector<16xf32>, vector<16xi32> -> vector<16xf32>
        %add3A_421 = arith.addf %gather3A_315, %gather3A_330 : vector<16xf32>
        %add3A_422 = arith.addf %gather3A_345, %gather3A_360 : vector<16xf32>
        %add3A_423 = arith.addf %add3A_421, %add3A_422 : vector<16xf32>
        %add3A_424 = arith.addf %gather3A_375, %gather3A_390 : vector<16xf32>
        %add3A_425 = arith.addf %gather3A_405, %gather3A_420 : vector<16xf32>
        %add3A_426 = arith.addf %add3A_424, %add3A_425 : vector<16xf32>
        %add3A_427 = arith.addf %add3A_295, %add3A_423 : vector<16xf32>
        %add3A_428 = arith.addf %add3A_296, %add3A_426 : vector<16xf32>
        %scan3A_429 = arith.constant 3 : i32
        %scan3A_430 = arith.addi %scan3A_35, %scan3A_429 : i32
        %mul3A_431 = arith.constant 8 : i32
        %mul3A_432 = arith.muli %scan3A_430, %mul3A_431 : i32
        %add3A_433 = arith.constant 0 : i32
        %add3A_434 = arith.addi %mul3A_432, %add3A_433 : i32
        %add3A_435 = vector.broadcast %add3A_434 : i32 to vector<16xi32>
        %add3A_436 = arith.addi %add3A_18, %add3A_435 : vector<16xi32>
        %gather3A_437 = tpu.vector_load_idx %arg6[%add3A_436] : memref<102400xi32, #tpu.memory_space<vmem>>[vector<16xi32>], vector<16xi32>,
        %lt3A_438 = arith.constant 0 : i32
        %lt3A_439 = vector.broadcast %lt3A_438 : i32 to vector<16xi32>
        %lt3A_440 = arith.cmpi slt, %gather3A_437, %lt3A_439 : vector<16xi32>
        %add3A_441 = arith.constant 16 : i32
        %add3A_442 = vector.broadcast %add3A_441 : i32 to vector<16xi32>
        %add3A_443 = arith.addi %gather3A_437, %add3A_442 : vector<16xi32>
        %select_n3A_444 = arith.select %lt3A_440, %add3A_443, %gather3A_437 : vector<16xi1>, vector<16xi32>
        %broadcast_in_dim3A_445 = vector.shape_cast %select_n3A_444 : vector<16xi32> to vector<16x1xi32>
        %gather3A_446 = vector.shape_cast %broadcast_in_dim3A_445 : vector<16x1xi32> to vector<16xi32>
        %gather3A_447 = tpu.dynamic_gather %get3A_5[%gather3A_446] in [0] : vector<16xf32>, vector<16xi32> -> vector<16xf32>
        %add3A_448 = arith.constant 1 : i32
        %add3A_449 = arith.addi %mul3A_432, %add3A_448 : i32
        %add3A_450 = vector.broadcast %add3A_449 : i32 to vector<16xi32>
        %add3A_451 = arith.addi %add3A_18, %add3A_450 : vector<16xi32>
        %gather3A_452 = tpu.vector_load_idx %arg6[%add3A_451] : memref<102400xi32, #tpu.memory_space<vmem>>[vector<16xi32>], vector<16xi32>,
        %lt3A_453 = arith.constant 0 : i32
        %lt3A_454 = vector.broadcast %lt3A_453 : i32 to vector<16xi32>
        %lt3A_455 = arith.cmpi slt, %gather3A_452, %lt3A_454 : vector<16xi32>
        %add3A_456 = arith.constant 16 : i32
        %add3A_457 = vector.broadcast %add3A_456 : i32 to vector<16xi32>
        %add3A_458 = arith.addi %gather3A_452, %add3A_457 : vector<16xi32>
        %select_n3A_459 = arith.select %lt3A_455, %add3A_458, %gather3A_452 : vector<16xi1>, vector<16xi32>
        %broadcast_in_dim3A_460 = vector.shape_cast %select_n3A_459 : vector<16xi32> to vector<16x1xi32>
        %gather3A_461 = vector.shape_cast %broadcast_in_dim3A_460 : vector<16x1xi32> to vector<16xi32>
        %gather3A_462 = tpu.dynamic_gather %get3A_5[%gather3A_461] in [0] : vector<16xf32>, vector<16xi32> -> vector<16xf32>
        %add3A_463 = arith.constant 2 : i32
        %add3A_464 = arith.addi %mul3A_432, %add3A_463 : i32
        %add3A_465 = vector.broadcast %add3A_464 : i32 to vector<16xi32>
        %add3A_466 = arith.addi %add3A_18, %add3A_465 : vector<16xi32>
        %gather3A_467 = tpu.vector_load_idx %arg6[%add3A_466] : memref<102400xi32, #tpu.memory_space<vmem>>[vector<16xi32>], vector<16xi32>,
        %lt3A_468 = arith.constant 0 : i32
        %lt3A_469 = vector.broadcast %lt3A_468 : i32 to vector<16xi32>
        %lt3A_470 = arith.cmpi slt, %gather3A_467, %lt3A_469 : vector<16xi32>
        %add3A_471 = arith.constant 16 : i32
        %add3A_472 = vector.broadcast %add3A_471 : i32 to vector<16xi32>
        %add3A_473 = arith.addi %gather3A_467, %add3A_472 : vector<16xi32>
        %select_n3A_474 = arith.select %lt3A_470, %add3A_473, %gather3A_467 : vector<16xi1>, vector<16xi32>
        %broadcast_in_dim3A_475 = vector.shape_cast %select_n3A_474 : vector<16xi32> to vector<16x1xi32>
        %gather3A_476 = vector.shape_cast %broadcast_in_dim3A_475 : vector<16x1xi32> to vector<16xi32>
        %gather3A_477 = tpu.dynamic_gather %get3A_5[%gather3A_476] in [0] : vector<16xf32>, vector<16xi32> -> vector<16xf32>
        %add3A_478 = arith.constant 3 : i32
        %add3A_479 = arith.addi %mul3A_432, %add3A_478 : i32
        %add3A_480 = vector.broadcast %add3A_479 : i32 to vector<16xi32>
        %add3A_481 = arith.addi %add3A_18, %add3A_480 : vector<16xi32>
        %gather3A_482 = tpu.vector_load_idx %arg6[%add3A_481] : memref<102400xi32, #tpu.memory_space<vmem>>[vector<16xi32>], vector<16xi32>,
        %lt3A_483 = arith.constant 0 : i32
        %lt3A_484 = vector.broadcast %lt3A_483 : i32 to vector<16xi32>
        %lt3A_485 = arith.cmpi slt, %gather3A_482, %lt3A_484 : vector<16xi32>
        %add3A_486 = arith.constant 16 : i32
        %add3A_487 = vector.broadcast %add3A_486 : i32 to vector<16xi32>
        %add3A_488 = arith.addi %gather3A_482, %add3A_487 : vector<16xi32>
        %select_n3A_489 = arith.select %lt3A_485, %add3A_488, %gather3A_482 : vector<16xi1>, vector<16xi32>
        %broadcast_in_dim3A_490 = vector.shape_cast %select_n3A_489 : vector<16xi32> to vector<16x1xi32>
        %gather3A_491 = vector.shape_cast %broadcast_in_dim3A_490 : vector<16x1xi32> to vector<16xi32>
        %gather3A_492 = tpu.dynamic_gather %get3A_5[%gather3A_491] in [0] : vector<16xf32>, vector<16xi32> -> vector<16xf32>
        %add3A_493 = arith.constant 4 : i32
        %add3A_494 = arith.addi %mul3A_432, %add3A_493 : i32
        %add3A_495 = vector.broadcast %add3A_494 : i32 to vector<16xi32>
        %add3A_496 = arith.addi %add3A_18, %add3A_495 : vector<16xi32>
        %gather3A_497 = tpu.vector_load_idx %arg6[%add3A_496] : memref<102400xi32, #tpu.memory_space<vmem>>[vector<16xi32>], vector<16xi32>,
        %lt3A_498 = arith.constant 0 : i32
        %lt3A_499 = vector.broadcast %lt3A_498 : i32 to vector<16xi32>
        %lt3A_500 = arith.cmpi slt, %gather3A_497, %lt3A_499 : vector<16xi32>
        %add3A_501 = arith.constant 16 : i32
        %add3A_502 = vector.broadcast %add3A_501 : i32 to vector<16xi32>
        %add3A_503 = arith.addi %gather3A_497, %add3A_502 : vector<16xi32>
        %select_n3A_504 = arith.select %lt3A_500, %add3A_503, %gather3A_497 : vector<16xi1>, vector<16xi32>
        %broadcast_in_dim3A_505 = vector.shape_cast %select_n3A_504 : vector<16xi32> to vector<16x1xi32>
        %gather3A_506 = vector.shape_cast %broadcast_in_dim3A_505 : vector<16x1xi32> to vector<16xi32>
        %gather3A_507 = tpu.dynamic_gather %get3A_5[%gather3A_506] in [0] : vector<16xf32>, vector<16xi32> -> vector<16xf32>
        %add3A_508 = arith.constant 5 : i32
        %add3A_509 = arith.addi %mul3A_432, %add3A_508 : i32
        %add3A_510 = vector.broadcast %add3A_509 : i32 to vector<16xi32>
        %add3A_511 = arith.addi %add3A_18, %add3A_510 : vector<16xi32>
        %gather3A_512 = tpu.vector_load_idx %arg6[%add3A_511] : memref<102400xi32, #tpu.memory_space<vmem>>[vector<16xi32>], vector<16xi32>,
        %lt3A_513 = arith.constant 0 : i32
        %lt3A_514 = vector.broadcast %lt3A_513 : i32 to vector<16xi32>
        %lt3A_515 = arith.cmpi slt, %gather3A_512, %lt3A_514 : vector<16xi32>
        %add3A_516 = arith.constant 16 : i32
        %add3A_517 = vector.broadcast %add3A_516 : i32 to vector<16xi32>
        %add3A_518 = arith.addi %gather3A_512, %add3A_517 : vector<16xi32>
        %select_n3A_519 = arith.select %lt3A_515, %add3A_518, %gather3A_512 : vector<16xi1>, vector<16xi32>
        %broadcast_in_dim3A_520 = vector.shape_cast %select_n3A_519 : vector<16xi32> to vector<16x1xi32>
        %gather3A_521 = vector.shape_cast %broadcast_in_dim3A_520 : vector<16x1xi32> to vector<16xi32>
        %gather3A_522 = tpu.dynamic_gather %get3A_5[%gather3A_521] in [0] : vector<16xf32>, vector<16xi32> -> vector<16xf32>
        %add3A_523 = arith.constant 6 : i32
        %add3A_524 = arith.addi %mul3A_432, %add3A_523 : i32
        %add3A_525 = vector.broadcast %add3A_524 : i32 to vector<16xi32>
        %add3A_526 = arith.addi %add3A_18, %add3A_525 : vector<16xi32>
        %gather3A_527 = tpu.vector_load_idx %arg6[%add3A_526] : memref<102400xi32, #tpu.memory_space<vmem>>[vector<16xi32>], vector<16xi32>,
        %lt3A_528 = arith.constant 0 : i32
        %lt3A_529 = vector.broadcast %lt3A_528 : i32 to vector<16xi32>
        %lt3A_530 = arith.cmpi slt, %gather3A_527, %lt3A_529 : vector<16xi32>
        %add3A_531 = arith.constant 16 : i32
        %add3A_532 = vector.broadcast %add3A_531 : i32 to vector<16xi32>
        %add3A_533 = arith.addi %gather3A_527, %add3A_532 : vector<16xi32>
        %select_n3A_534 = arith.select %lt3A_530, %add3A_533, %gather3A_527 : vector<16xi1>, vector<16xi32>
        %broadcast_in_dim3A_535 = vector.shape_cast %select_n3A_534 : vector<16xi32> to vector<16x1xi32>
        %gather3A_536 = vector.shape_cast %broadcast_in_dim3A_535 : vector<16x1xi32> to vector<16xi32>
        %gather3A_537 = tpu.dynamic_gather %get3A_5[%gather3A_536] in [0] : vector<16xf32>, vector<16xi32> -> vector<16xf32>
        %add3A_538 = arith.constant 7 : i32
        %add3A_539 = arith.addi %mul3A_432, %add3A_538 : i32
        %add3A_540 = vector.broadcast %add3A_539 : i32 to vector<16xi32>
        %add3A_541 = arith.addi %add3A_18, %add3A_540 : vector<16xi32>
        %gather3A_542 = tpu.vector_load_idx %arg6[%add3A_541] : memref<102400xi32, #tpu.memory_space<vmem>>[vector<16xi32>], vector<16xi32>,
        %lt3A_543 = arith.constant 0 : i32
        %lt3A_544 = vector.broadcast %lt3A_543 : i32 to vector<16xi32>
        %lt3A_545 = arith.cmpi slt, %gather3A_542, %lt3A_544 : vector<16xi32>
        %add3A_546 = arith.constant 16 : i32
        %add3A_547 = vector.broadcast %add3A_546 : i32 to vector<16xi32>
        %add3A_548 = arith.addi %gather3A_542, %add3A_547 : vector<16xi32>
        %select_n3A_549 = arith.select %lt3A_545, %add3A_548, %gather3A_542 : vector<16xi1>, vector<16xi32>
        %broadcast_in_dim3A_550 = vector.shape_cast %select_n3A_549 : vector<16xi32> to vector<16x1xi32>
        %gather3A_551 = vector.shape_cast %broadcast_in_dim3A_550 : vector<16x1xi32> to vector<16xi32>
        %gather3A_552 = tpu.dynamic_gather %get3A_5[%gather3A_551] in [0] : vector<16xf32>, vector<16xi32> -> vector<16xf32>
        %add3A_553 = arith.addf %gather3A_447, %gather3A_462 : vector<16xf32>
        %add3A_554 = arith.addf %gather3A_477, %gather3A_492 : vector<16xf32>
        %add3A_555 = arith.addf %add3A_553, %add3A_554 : vector<16xf32>
        %add3A_556 = arith.addf %gather3A_507, %gather3A_522 : vector<16xf32>
        %add3A_557 = arith.addf %gather3A_537, %gather3A_552 : vector<16xf32>
        %add3A_558 = arith.addf %add3A_556, %add3A_557 : vector<16xf32>
        %add3A_559 = arith.addf %add3A_427, %add3A_555 : vector<16xf32>
        %add3A_560 = arith.addf %add3A_428, %add3A_558 : vector<16xf32>
        %scan3A_561 = arith.constant 4 : i32
        %scan3A_562 = arith.addi %scan3A_35, %scan3A_561 : i32
        %mul3A_563 = arith.constant 8 : i32
        %mul3A_564 = arith.muli %scan3A_562, %mul3A_563 : i32
        %add3A_565 = arith.constant 0 : i32
        %add3A_566 = arith.addi %mul3A_564, %add3A_565 : i32
        %add3A_567 = vector.broadcast %add3A_566 : i32 to vector<16xi32>
        %add3A_568 = arith.addi %add3A_18, %add3A_567 : vector<16xi32>
        %gather3A_569 = tpu.vector_load_idx %arg6[%add3A_568] : memref<102400xi32, #tpu.memory_space<vmem>>[vector<16xi32>], vector<16xi32>,
        %lt3A_570 = arith.constant 0 : i32
        %lt3A_571 = vector.broadcast %lt3A_570 : i32 to vector<16xi32>
        %lt3A_572 = arith.cmpi slt, %gather3A_569, %lt3A_571 : vector<16xi32>
        %add3A_573 = arith.constant 16 : i32
        %add3A_574 = vector.broadcast %add3A_573 : i32 to vector<16xi32>
        %add3A_575 = arith.addi %gather3A_569, %add3A_574 : vector<16xi32>
        %select_n3A_576 = arith.select %lt3A_572, %add3A_575, %gather3A_569 : vector<16xi1>, vector<16xi32>
        %broadcast_in_dim3A_577 = vector.shape_cast %select_n3A_576 : vector<16xi32> to vector<16x1xi32>
        %gather3A_578 = vector.shape_cast %broadcast_in_dim3A_577 : vector<16x1xi32> to vector<16xi32>
        %gather3A_579 = tpu.dynamic_gather %get3A_5[%gather3A_578] in [0] : vector<16xf32>, vector<16xi32> -> vector<16xf32>
        %add3A_580 = arith.constant 1 : i32
        %add3A_581 = arith.addi %mul3A_564, %add3A_580 : i32
        %add3A_582 = vector.broadcast %add3A_581 : i32 to vector<16xi32>
        %add3A_583 = arith.addi %add3A_18, %add3A_582 : vector<16xi32>
        %gather3A_584 = tpu.vector_load_idx %arg6[%add3A_583] : memref<102400xi32, #tpu.memory_space<vmem>>[vector<16xi32>], vector<16xi32>,
        %lt3A_585 = arith.constant 0 : i32
        %lt3A_586 = vector.broadcast %lt3A_585 : i32 to vector<16xi32>
        %lt3A_587 = arith.cmpi slt, %gather3A_584, %lt3A_586 : vector<16xi32>
        %add3A_588 = arith.constant 16 : i32
        %add3A_589 = vector.broadcast %add3A_588 : i32 to vector<16xi32>
        %add3A_590 = arith.addi %gather3A_584, %add3A_589 : vector<16xi32>
        %select_n3A_591 = arith.select %lt3A_587, %add3A_590, %gather3A_584 : vector<16xi1>, vector<16xi32>
        %broadcast_in_dim3A_592 = vector.shape_cast %select_n3A_591 : vector<16xi32> to vector<16x1xi32>
        %gather3A_593 = vector.shape_cast %broadcast_in_dim3A_592 : vector<16x1xi32> to vector<16xi32>
        %gather3A_594 = tpu.dynamic_gather %get3A_5[%gather3A_593] in [0] : vector<16xf32>, vector<16xi32> -> vector<16xf32>
        %add3A_595 = arith.constant 2 : i32
        %add3A_596 = arith.addi %mul3A_564, %add3A_595 : i32
        %add3A_597 = vector.broadcast %add3A_596 : i32 to vector<16xi32>
        %add3A_598 = arith.addi %add3A_18, %add3A_597 : vector<16xi32>
        %gather3A_599 = tpu.vector_load_idx %arg6[%add3A_598] : memref<102400xi32, #tpu.memory_space<vmem>>[vector<16xi32>], vector<16xi32>,
        %lt3A_600 = arith.constant 0 : i32
        %lt3A_601 = vector.broadcast %lt3A_600 : i32 to vector<16xi32>
        %lt3A_602 = arith.cmpi slt, %gather3A_599, %lt3A_601 : vector<16xi32>
        %add3A_603 = arith.constant 16 : i32
        %add3A_604 = vector.broadcast %add3A_603 : i32 to vector<16xi32>
        %add3A_605 = arith.addi %gather3A_599, %add3A_604 : vector<16xi32>
        %select_n3A_606 = arith.select %lt3A_602, %add3A_605, %gather3A_599 : vector<16xi1>, vector<16xi32>
        %broadcast_in_dim3A_607 = vector.shape_cast %select_n3A_606 : vector<16xi32> to vector<16x1xi32>
        %gather3A_608 = vector.shape_cast %broadcast_in_dim3A_607 : vector<16x1xi32> to vector<16xi32>
        %gather3A_609 = tpu.dynamic_gather %get3A_5[%gather3A_608] in [0] : vector<16xf32>, vector<16xi32> -> vector<16xf32>
        %add3A_610 = arith.constant 3 : i32
        %add3A_611 = arith.addi %mul3A_564, %add3A_610 : i32
        %add3A_612 = vector.broadcast %add3A_611 : i32 to vector<16xi32>
        %add3A_613 = arith.addi %add3A_18, %add3A_612 : vector<16xi32>
        %gather3A_614 = tpu.vector_load_idx %arg6[%add3A_613] : memref<102400xi32, #tpu.memory_space<vmem>>[vector<16xi32>], vector<16xi32>,
        %lt3A_615 = arith.constant 0 : i32
        %lt3A_616 = vector.broadcast %lt3A_615 : i32 to vector<16xi32>
        %lt3A_617 = arith.cmpi slt, %gather3A_614, %lt3A_616 : vector<16xi32>
        %add3A_618 = arith.constant 16 : i32
        %add3A_619 = vector.broadcast %add3A_618 : i32 to vector<16xi32>
        %add3A_620 = arith.addi %gather3A_614, %add3A_619 : vector<16xi32>
        %select_n3A_621 = arith.select %lt3A_617, %add3A_620, %gather3A_614 : vector<16xi1>, vector<16xi32>
        %broadcast_in_dim3A_622 = vector.shape_cast %select_n3A_621 : vector<16xi32> to vector<16x1xi32>
        %gather3A_623 = vector.shape_cast %broadcast_in_dim3A_622 : vector<16x1xi32> to vector<16xi32>
        %gather3A_624 = tpu.dynamic_gather %get3A_5[%gather3A_623] in [0] : vector<16xf32>, vector<16xi32> -> vector<16xf32>
        %add3A_625 = arith.constant 4 : i32
        %add3A_626 = arith.addi %mul3A_564, %add3A_625 : i32
        %add3A_627 = vector.broadcast %add3A_626 : i32 to vector<16xi32>
        %add3A_628 = arith.addi %add3A_18, %add3A_627 : vector<16xi32>
        %gather3A_629 = tpu.vector_load_idx %arg6[%add3A_628] : memref<102400xi32, #tpu.memory_space<vmem>>[vector<16xi32>], vector<16xi32>,
        %lt3A_630 = arith.constant 0 : i32
        %lt3A_631 = vector.broadcast %lt3A_630 : i32 to vector<16xi32>
        %lt3A_632 = arith.cmpi slt, %gather3A_629, %lt3A_631 : vector<16xi32>
        %add3A_633 = arith.constant 16 : i32
        %add3A_634 = vector.broadcast %add3A_633 : i32 to vector<16xi32>
        %add3A_635 = arith.addi %gather3A_629, %add3A_634 : vector<16xi32>
        %select_n3A_636 = arith.select %lt3A_632, %add3A_635, %gather3A_629 : vector<16xi1>, vector<16xi32>
        %broadcast_in_dim3A_637 = vector.shape_cast %select_n3A_636 : vector<16xi32> to vector<16x1xi32>
        %gather3A_638 = vector.shape_cast %broadcast_in_dim3A_637 : vector<16x1xi32> to vector<16xi32>
        %gather3A_639 = tpu.dynamic_gather %get3A_5[%gather3A_638] in [0] : vector<16xf32>, vector<16xi32> -> vector<16xf32>
        %add3A_640 = arith.constant 5 : i32
        %add3A_641 = arith.addi %mul3A_564, %add3A_640 : i32
        %add3A_642 = vector.broadcast %add3A_641 : i32 to vector<16xi32>
        %add3A_643 = arith.addi %add3A_18, %add3A_642 : vector<16xi32>
        %gather3A_644 = tpu.vector_load_idx %arg6[%add3A_643] : memref<102400xi32, #tpu.memory_space<vmem>>[vector<16xi32>], vector<16xi32>,
        %lt3A_645 = arith.constant 0 : i32
        %lt3A_646 = vector.broadcast %lt3A_645 : i32 to vector<16xi32>
        %lt3A_647 = arith.cmpi slt, %gather3A_644, %lt3A_646 : vector<16xi32>
        %add3A_648 = arith.constant 16 : i32
        %add3A_649 = vector.broadcast %add3A_648 : i32 to vector<16xi32>
        %add3A_650 = arith.addi %gather3A_644, %add3A_649 : vector<16xi32>
        %select_n3A_651 = arith.select %lt3A_647, %add3A_650, %gather3A_644 : vector<16xi1>, vector<16xi32>
        %broadcast_in_dim3A_652 = vector.shape_cast %select_n3A_651 : vector<16xi32> to vector<16x1xi32>
        %gather3A_653 = vector.shape_cast %broadcast_in_dim3A_652 : vector<16x1xi32> to vector<16xi32>
        %gather3A_654 = tpu.dynamic_gather %get3A_5[%gather3A_653] in [0] : vector<16xf32>, vector<16xi32> -> vector<16xf32>
        %add3A_655 = arith.constant 6 : i32
        %add3A_656 = arith.addi %mul3A_564, %add3A_655 : i32
        %add3A_657 = vector.broadcast %add3A_656 : i32 to vector<16xi32>
        %add3A_658 = arith.addi %add3A_18, %add3A_657 : vector<16xi32>
        %gather3A_659 = tpu.vector_load_idx %arg6[%add3A_658] : memref<102400xi32, #tpu.memory_space<vmem>>[vector<16xi32>], vector<16xi32>,
        %lt3A_660 = arith.constant 0 : i32
        %lt3A_661 = vector.broadcast %lt3A_660 : i32 to vector<16xi32>
        %lt3A_662 = arith.cmpi slt, %gather3A_659, %lt3A_661 : vector<16xi32>
        %add3A_663 = arith.constant 16 : i32
        %add3A_664 = vector.broadcast %add3A_663 : i32 to vector<16xi32>
        %add3A_665 = arith.addi %gather3A_659, %add3A_664 : vector<16xi32>
        %select_n3A_666 = arith.select %lt3A_662, %add3A_665, %gather3A_659 : vector<16xi1>, vector<16xi32>
        %broadcast_in_dim3A_667 = vector.shape_cast %select_n3A_666 : vector<16xi32> to vector<16x1xi32>
        %gather3A_668 = vector.shape_cast %broadcast_in_dim3A_667 : vector<16x1xi32> to vector<16xi32>
        %gather3A_669 = tpu.dynamic_gather %get3A_5[%gather3A_668] in [0] : vector<16xf32>, vector<16xi32> -> vector<16xf32>
        %add3A_670 = arith.constant 7 : i32
        %add3A_671 = arith.addi %mul3A_564, %add3A_670 : i32
        %add3A_672 = vector.broadcast %add3A_671 : i32 to vector<16xi32>
        %add3A_673 = arith.addi %add3A_18, %add3A_672 : vector<16xi32>
        %gather3A_674 = tpu.vector_load_idx %arg6[%add3A_673] : memref<102400xi32, #tpu.memory_space<vmem>>[vector<16xi32>], vector<16xi32>,
        %lt3A_675 = arith.constant 0 : i32
        %lt3A_676 = vector.broadcast %lt3A_675 : i32 to vector<16xi32>
        %lt3A_677 = arith.cmpi slt, %gather3A_674, %lt3A_676 : vector<16xi32>
        %add3A_678 = arith.constant 16 : i32
        %add3A_679 = vector.broadcast %add3A_678 : i32 to vector<16xi32>
        %add3A_680 = arith.addi %gather3A_674, %add3A_679 : vector<16xi32>
        %select_n3A_681 = arith.select %lt3A_677, %add3A_680, %gather3A_674 : vector<16xi1>, vector<16xi32>
        %broadcast_in_dim3A_682 = vector.shape_cast %select_n3A_681 : vector<16xi32> to vector<16x1xi32>
        %gather3A_683 = vector.shape_cast %broadcast_in_dim3A_682 : vector<16x1xi32> to vector<16xi32>
        %gather3A_684 = tpu.dynamic_gather %get3A_5[%gather3A_683] in [0] : vector<16xf32>, vector<16xi32> -> vector<16xf32>
        %add3A_685 = arith.addf %gather3A_579, %gather3A_594 : vector<16xf32>
        %add3A_686 = arith.addf %gather3A_609, %gather3A_624 : vector<16xf32>
        %add3A_687 = arith.addf %add3A_685, %add3A_686 : vector<16xf32>
        %add3A_688 = arith.addf %gather3A_639, %gather3A_654 : vector<16xf32>
        %add3A_689 = arith.addf %gather3A_669, %gather3A_684 : vector<16xf32>
        %add3A_690 = arith.addf %add3A_688, %add3A_689 : vector<16xf32>
        %add3A_691 = arith.addf %add3A_559, %add3A_687 : vector<16xf32>
        %add3A_692 = arith.addf %add3A_560, %add3A_690 : vector<16xf32>
        scf.yield %add3A_691, %add3A_692 : vector<16xf32>, vector<16xf32>
      }
      %scan3A_25 = arith.constant 25 : i32
      %add3A_26 = arith.addf %scan3A_24#0, %scan3A_24#1 : vector<16xf32>
      %mul3A_27 = arith.constant 16 : i32
      %mul3A_28 = arith.muli %scan3A_11, %mul3A_27 : i32
      %get3A_29 = arith.index_cast %mul3A_28 : i32 to index
      %get3A_30 = tpu.vector_load %arg7[%get3A_29] {strides = array<i32>} : memref<512xf32, #tpu.memory_space<vmem>>, vector<16xf32>,
      %add3A_31 = arith.addf %add3A_26, %get3A_30 : vector<16xf32>
      %mul3A_32 = arith.constant 16 : i32
      %mul3A_33 = arith.muli %scan3A_11, %mul3A_32 : i32
      %swap3A = arith.index_cast %mul3A_33 : i32 to index
      %swap3A_34 = tpu.vector_load %arg8[%swap3A] {strides = array<i32>} : memref<512xf32, #tpu.memory_space<vmem>>, vector<16xf32>,
      tpu.vector_store %arg8[%swap3A], %add3A_31 {strides = array<i32>} : memref<512xf32, #tpu.memory_space<vmem>>, vector<16xf32>,
    }
    %scan3A_10 = arith.constant 32 : i32
    "tpu.region"() ({
      %run_scoped3A = tpu.sem_alloc : memref<!tpu.dma_semaphore, #tpu.memory_space<semaphore_mem>>
      %dma_start3A = tpu.memref_slice %arg5[%mul3A_2] : memref<16384xf32, #tpu.memory_space<hbm>> -> memref<512xf32, #tpu.memory_space<hbm>>
      %dma_start3A_11 = tpu.memref_slice %arg5[%mul3A_2] : memref<16384xf32, #tpu.memory_space<hbm>> -> memref<512xf32, #tpu.memory_space<hbm>>
      tpu.enqueue_dma source(%arg8 : memref<512xf32, #tpu.memory_space<vmem>>) target(%dma_start3A_11 : memref<512xf32, #tpu.memory_space<hbm>>) target_semaphore(%run_scoped3A : memref<!tpu.dma_semaphore, #tpu.memory_space<semaphore_mem>>)
      %dma_wait3A = tpu.memref_slice %arg5[%mul3A_2] : memref<16384xf32, #tpu.memory_space<hbm>> -> memref<512xf32, #tpu.memory_space<hbm>>
      %dma_wait3A_12 = tpu.memref_slice %arg5[%mul3A_2] : memref<16384xf32, #tpu.memory_space<hbm>> -> memref<512xf32, #tpu.memory_space<hbm>>
      tpu.wait_dma2 semaphore(%run_scoped3A : memref<!tpu.dma_semaphore, #tpu.memory_space<semaphore_mem>>) src(%arg8 : memref<512xf32, #tpu.memory_space<vmem>>) dst(%dma_wait3A_12 : memref<512xf32, #tpu.memory_space<hbm>>)
      tpu.yield
    }) : () -> ()
    return
  }
}

</mosaic_0001>

<sc_bundles>
// kernel: kernel.3.cloned.1.call-start
scs
__scs_entry_jumppad:
0x0: {  	(pc) =	sbr.rel $0x88, $3  }
0x1: {  	(tag) =	ssettag $0x0;
	lr =	simm.s32 $0x1  }
0x2: {  	[smem:$0x3F9E] =	sst lr;
	_ =	strace $0xD0000000  }
0x3: {  	_ = 	snop  }
0x4: {  	_ = 	snop  }
0x5: {  	_ = 	snop  }
0x6: {  	_ = 	snop  }
0x7: {  	_ = 	snop  }
__scs_overlays_trampoline_lowered:
0x8: {  	[smem:$0x3FAD] =	sst s0  }
0x9: {  	[smem:$0x3FAE] =	sst s1  }
0xa: {  	[smem:$0x3FAF] =	sst s2  }
0xb: {  	[smem:$0x3FB0] =	sst s3  }
0xc: {  	[smem:$0x3FB1] =	sst s4  }
0xd: {  	[smem:$0x3FB2] =	sst s5  }
0xe: {  	[smem:$0x3FB3] =	sst s6  }
0xf: {  	[smem:$0x3FB4] =	sst s7  }
0x10: {  	[smem:$0x3FB5] =	sst s8  }
0x11: {  	[smem:$0x3FB6] =	sst s9;
	s0 =	simm.s32 @!p0 $0x0  }
0x12: {  	s1 =	sld [smem:$0x3F9C];
	s0 =	simm.s32 @p0 $0x1  }
0x13: {  	[smem:$0x3FB7] =	sst s0;
	s0 =	simm.s32 @!p1 $0x0  }
0x14: {  	s2 =	sld [smem:$0x3F9B];
	s0 =	simm.s32 @p1 $0x1  }
0x15: {  	[smem:$0x3FB8] =	sst s0;
	s0 =	simm.s32 @!p2 $0x0  }
0x16: {  	s3 =	sld [smem:$0x3FDB];
	s0 =	simm.s32 @p2 $0x1  }
0x17: {  	s4 =	simm.s32 $0x1BF5;
	[smem:$0x3FBA] =	sst s0  }
0x18: {  	s0 =	sld [smem:$0x3F9D];
	_ =	swait.ge [sflag:s4], $0x0  }
0x19: {  	s7 =	sld [smem:$0x3F9E]  }
0x1a: {  	s8 =	sadd.s32 $0xFFFFE003, lr  }
0x1b: {  	s9 =	sadd.s32 $0xFFFFFEF7, lr;
	s5 =	simm.s32 $0xFFFFFFFF;
	p2 =	slt.u32 s8, $0xFFFFF086  }
0x1c: {  	p1 =	slt.u32 s9, $0xF7A;
	s5 =	simm.s32 @!p2 $0x0  }
0x1d: {  	s5 =	simm.s32 @p1 $0x1;
	p0 =	seq.s32 s7, s2  }
0x1e: {  	s7 =	smul.u32 @!p0 $0xF7A, s2;
	p2 =	seq.s32 @!p0 s5, $0x0  }
0x1f: {  	s9 =	smul.u32 $0xF7A, s1;
	s8 =	simm.s32 @!p0 $0x1BF5;
	p2 =	por !p2, p0  }
0x20: {  	[sflag:s8] =	ssyncset.s32 @!p0 $0xFFFFF086;
	s6 =	sadd.s32 @!p0 s3, s7;
	s7 =	simm.s32 @!p0 $0x108  }
0x21: {  	s3 =	sadd.s32 s3, s9;
	s6 =	sadd.s32 @!p0 $0x88, s6;
	s7 =	simm.s32 @p2 $0x1082  }
0x22: {  	[simem:s7], [sflag:s8] =	dma.local @!p0 [hbm:s6], $0xF7A  }
0x23: {  	s9 =	sor.u32 $0xD0000000, s2;
	s6 =	simm.s32 $0x108;
	_ =	swait.ge @!p0 [sflag:s8], $0x0  }
0x24: {  	s3 =	sadd.s32 $0x88, s3;
	s6 =	simm.s32 @!p1 $0x1082;
	[sflag:s4] =	ssyncset.s32 $0xFFFFF086  }
0x25: {  	[simem:s6], [sflag:s4] =	dma.local [hbm:s3], $0xF7A  }
0x26: {  	[smem:$0x3F9E] =	sst s1;
	(tag) =	ssettag s2;
	_ =	strace s9  }
0x27: {  	s1 =	sld [smem:$0x3FAE]  }
0x28: {  	s2 =	sld [smem:$0x3FAF]  }
0x29: {  	s4 =	sld [smem:$0x3FB1]  }
0x2a: {  	p0 =	seq.s32 s5, $0x0;
	s5 =	sld [smem:$0x3FB2]  }
0x2b: {  	s6 =	sld [smem:$0x3FB3]  }
0x2c: {  	s7 =	sld [smem:$0x3FB4]  }
0x2d: {  	s3 =	simm.s32 $0x108;
	s8 =	sld [smem:$0x3FB5]  }
0x2e: {  	s3 =	simm.s32 @!p0 $0x1082;
	s9 =	sld [smem:$0x3FB6]  }
0x2f: {  	lr =	sadd.s32 s0, s3;
	s0 =	sld [smem:$0x3FAD]  }
0x30: {  	s3 =	sld [smem:$0x3FB0]  }
0x31: {  	[smem:$0x3FB9] =	sst s10  }
0x32: {  	s10 =	sld [smem:$0x3FB7];
	_ =	sdelay $0x3  }
0x33: {  	p0 =	seq.s32 s10, $0x1;
	s10 =	sld [smem:$0x3FB9];
	_ =	sdelay $0x3  }
0x34: {  	[smem:$0x3FB9] =	sst s10  }
0x35: {  	s10 =	sld [smem:$0x3FB8];
	_ =	sdelay $0x3  }
0x36: {  	p1 =	seq.s32 s10, $0x1;
	s10 =	sld [smem:$0x3FB9];
	_ =	sdelay $0x3  }
0x37: {  	[smem:$0x3FB9] =	sst s10  }
0x38: {  	s10 =	sld [smem:$0x3FBA]  }
0x39: {  	_ = 	snop;
	(pc) =	sbr.ind lr, $3  }
0x3a: {  	_ = 	snop  }
0x3b: {  	_ = 	snop  }
0x3c: {  	p2 =	seq.s32 s10, $0x1;
	s10 =	sld [smem:$0x3FB9]  }
0x3d: {  	_ =	shalt  }
0x3e: {  	_ =	shalt  }
0x3f: {  	_ =	shalt  }
0x40: {  	_ =	shalt  }
0x41: {  	_ =	shalt  }
0x42: {  	_ =	shalt  }
0x43: {  	_ =	shalt  }
0x44: {  	_ =	shalt  }
0x45: {  	_ =	shalt  }
0x46: {  	_ =	shalt  }
0x47: {  	_ =	shalt  }
0x48: {  	_ =	shalt  }
0x49: {  	_ =	shalt  }
0x4a: {  	_ =	shalt  }
0x4b: {  	_ =	shalt  }
0x4c: {  	_ =	shalt  }
0x4d: {  	_ =	shalt  }
0x4e: {  	_ =	shalt  }
0x4f: {  	_ =	shalt  }
0x50: {  	_ =	shalt  }
0x51: {  	_ =	shalt  }
0x52: {  	_ =	shalt  }
0x53: {  	_ =	shalt  }
0x54: {  	_ =	shalt  }
0x55: {  	_ =	shalt  }
0x56: {  	_ =	shalt  }
0x57: {  	_ =	shalt  }
0x58: {  	_ =	shalt  }
0x59: {  	_ =	shalt  }
0x5a: {  	_ =	shalt  }
0x5b: {  	_ =	shalt  }
0x5c: {  	_ =	shalt  }
0x5d: {  	_ =	shalt  }
0x5e: {  	_ =	shalt  }
0x5f: {  	_ =	shalt  }
0x60: {  	_ =	shalt  }
0x61: {  	_ =	shalt  }
0x62: {  	_ =	shalt  }
0x63: {  	_ =	shalt  }
0x64: {  	_ =	shalt  }
0x65: {  	_ =	shalt  }
0x66: {  	_ =	shalt  }
0x67: {  	_ =	shalt  }
0x68: {  	_ =	shalt  }
0x69: {  	_ =	shalt  }
0x6a: {  	_ =	shalt  }
0x6b: {  	_ =	shalt  }
0x6c: {  	_ =	shalt  }
0x6d: {  	_ =	shalt  }
0x6e: {  	_ =	shalt  }
0x6f: {  	_ =	shalt  }
0x70: {  	_ =	shalt  }
0x71: {  	_ =	shalt  }
0x72: {  	_ =	shalt  }
0x73: {  	_ =	shalt  }
0x74: {  	_ =	shalt  }
0x75: {  	_ =	shalt  }
0x76: {  	_ =	shalt  }
0x77: {  	_ =	shalt  }
0x78: {  	_ =	shalt  }
0x79: {  	_ =	shalt  }
0x7a: {  	_ =	shalt  }
0x7b: {  	_ =	shalt  }
0x7c: {  	_ =	shalt  }
0x7d: {  	_ =	shalt  }
0x7e: {  	_ =	shalt  }
0x7f: {  	_ =	shalt  }
0x80: {  	_ =	shalt  }
0x81: {  	_ =	shalt  }
0x82: {  	_ =	shalt  }
0x83: {  	_ =	shalt  }
0x84: {  	_ =	shalt  }
0x85: {  	_ =	shalt  }
0x86: {  	_ =	shalt  }
0x87: {  	_ =	shalt  }
.Lfunc_end0:
.L_simem_size_0:
called_computation_lowered:
.L_overlay_start_0:
0x88: {  	s2 =	sld [smem:$0x3FD9]  }
0x89: {  	s3 =	sld [smem:$0x3FFE];
	_ =	sdelay $0x1  }
0x8a: {  	s1 =	srdreg.scid  }
0x8b: {  	s0 =	sand.u32 $0x1, s1  }
0x8c: {  	s14 =	sshll.u32 s0, $0xA;
	s2 =	sadd.s32 s3, s2  }
0x8d: {  	s2 =	sadd.s32 s2, s14  }
0x8e: {  	[smem:$0x3FC5] =	sst s2  }
0x8f: {  	_ = 	snop  }
0x90: {  	s2 =	sld [smem:$0x3FD0];
	_ =	sdelay $0x2  }
0x91: {  	s4 =	simm.s32 $0xA;
	s5 =	simm.s32 $0x10;
	s15 =	sld [smem:$0x3FC8]  }
0x92: {  	[smem:s5], [sflag:s4] =	dma.local [hbm:s2], $0x1  }
0x93: {  	_ =	swait.eq [sflag:s4], $0x1  }
0x94: {  	[sflag:s4] =	ssyncset.done $0x0  }
0x95: {  	s16 =	sld [smem:$0x10];
	[sflag:s4] =	ssyncadd.s32 $0xFFFFFFFF  }
0x96: {  	s17 =	sld [smem:$0x11];
	(tm) =	ssettm $0x1  }
0x97: {  	s18 =	sld [smem:$0x3FFB];
	_ =	sdelay $0x3  }
0x98: {  	_ =	strace s18  }
0x99: {  	s5 =	sld [smem:$0x3FFC];
	_ =	sdelay $0x3  }
0x9a: {  	_ =	strace s5  }
0x9b: {  	s5 =	sld [smem:$0x3FFD];
	_ =	sdelay $0x3  }
0x9c: {  	_ =	strace s5  }
0x9d: {  	_ =	strace $0x8FFFFFFF  }
0x9e: {  	s19 =	sld [smem:$0x3FDB];
	_ =	sdelay $0x1  }
0x9f: {  	s6 =	simm.s32 $_scs_section_size  }
0xa0: {  	s7 =	simm.s32 $_size__tile_overlayer_lowered;
	s8 =	simm.s32 $_tile_overlayer_lowered  }
0xa1: {  	s22 =	simm.s32 $0x1BFF;
	s21 =	sshll.u32 s8, $0x1;
	s5 =	sadd.s32 s6, s19  }
0xa2: {  	s9 =	simm.s32 $0x0;
	s20 =	sshll.u32 s7, $0x1;
	s7 =	sadd.s32 s21, s5  }
0xa3: {  	[timem:s9], [sflag:s22] =	dma.local [hbm:s7], s20  }
0xa4: {  	_ =	swait.ge [sflag:s22], s20  }
0xa5: {  	s6 =	ssub.s32 $0x0, s20;
	[sflag:s22] =	ssyncset.done $0x0  }
0xa6: {  	[sflag:s22] =	ssyncadd.s32 s6;
	_ =	sdelay $0x1  }
0xa7: {  	s23 =	simm.s32 $0x1B8B  }
0xa8: {  	_ =	swait.ge [sflag:s23], $0x1  }
0xa9: {  	[sflag:s23] =	ssyncset.done $0x0  }
0xaa: {  	s25 =	simm.s32 $0x1B8E;
	s24 =	sld [smem:$0x3FFE];
	[sflag:s23] =	ssyncadd.s32 $0xFFFFFFFF  }
0xab: {  	s26 =	simm.s32 $execute0_lowered;
	[smem:$0x3FD2] =	sst s25  }
0xac: {  	s7 =	sshll.u32 s26, $0x1;
	_ =	strace $0x80000046;
	[dreg:$0x1] =	wrdreg $0xFFFFFFFF  }
0xad: {  	s28 =	simm.s32 $_size_execute0_lowered;
	s5 =	sadd.s32 s5, s7;
	[dreg:$0x0] =	wrdreg $0x0  }
0xae: {  	s7 =	sshll.u32 s28, $0x1;
	[dreg:$0x2] =	wrdreg s5  }
0xaf: {  	[dreg:$0x3] =	wrdreg s7  }
0xb0: {  	[dreg:$0x4] =	wrdreg $0xC0  }
0xb1: {  	_ =	task [dreg:s9], $0x5FFFF  }
0xb2: {  	[dreg:$0x1] =	wrdreg $0xFFFFFFFF  }
0xb3: {  	[dreg:$0x0] =	wrdreg $0x60  }
0xb4: {  	[dreg:$0x2] =	wrdreg s16  }
0xb5: {  	[dreg:$0x3] =	wrdreg s15  }
0xb6: {  	[dreg:$0x4] =	wrdreg s24  }
0xb7: {  	[dreg:$0x5] =	wrdreg s17  }
0xb8: {  	[dreg:$0x6] =	wrdreg $0x9  }
0xb9: {  	_ =	task.clear_ibuf [dreg:s9], $0x7FFFF;
	_ =	strace $0x90000046  }
0xba: {  	s29 =	simm.s32 $0x9;
	_ =	strace $0x80000048  }
0xbb: {  	_ =	swait.ge [sflag:s29], $0x1  }
0xbc: {  	[sflag:s29] =	ssyncadd.s32 $0xFFFFFFFF  }
0xbd: {  	_ =	strace $0x90000048  }
0xbe: {  	_ =	sfence  }
0xbf: {  	s30 =	sld [smem:$0x0];
	_ =	sdelay $0x2  }
0xc0: {  	s31 =	sshll.u32 s1, $0xD;
	s1 =	sshrl.u32 s1, $0x2  }
0xc1: {  	s3 =	sand.u32 $0x4000, s31;
	s1 =	sadd.s32 s1, s30  }
0xc2: {  	s0 =	sor.u32 s3, s0;
	s1 =	sshll.u32 s1, $0x11  }
0xc3: {  	s0 =	sor.u32 s1, s0  }
0xc4: {  	s0 =	sadd.s32 $0x8F2B, s0  }
0xc5: {  	[sflag:s0] =	ssyncadd.remote.s32 $0x1  }
0xc6: {  	_ =	sfence.sel $0xFFFF  }
0xc7: {  	[dreg:$0x0] =	wrdreg $0xFFFFFFFF;
	(pc) =	sbr.abs _section_cstart, $3  }
0xc8: {  	[dreg:$0x1] =	wrdreg $0xFFFFFFFF  }
0xc9: {  	_ =	task.clear_ibuf [dreg:s9], $0x2FFFF;
	_ =	strace $0x9FFFFFFF  }
0xca: {  	(tm) =	ssettm $0x7FFFFFFF  }
0xcb: {  	_ =	shalt  }
tec
execute0_lowered:
.L_overlay_start_1:
0x0: {  	(tag) =	ssettag $0x1  }
0x1: {  	s5 =	rddreg [dreg:$0x0]  }
0x2: {  	s4 =	rddreg [dreg:$0x1]  }
0x3: {  	s3 =	rddreg [dreg:$0x2]  }
0x4: {  	s6 =	rddreg [dreg:$0x3]  }
0x5: {  	s0 =	rddreg [dreg:$0x4]  }
0x6: {  	s7 =	srdreg.scid;
	s1 =	stileid.u32  }
0x7: {  	s2 =	simm.s32 $0x0;
	s11 =	simm.s32 $0x19200;
	s12 =	simm.s32 $0x0  }
0x8: {  	s7 =	sand.u32 $0x1, s7;
	s8 =	sshll.u32 s1, $0x1;
	[smem:$0x7FF] =	sst s2  }
0x9: {  	s3 =	sadd.s32 $0x1600, s3;
	s9 =	ssub.s32 $0x2, s7;
	s7 =	sor.u32 s7, s8  }
0xa: {  	s31 =	sshrl.u32 s9, $0x1;
	s10 =	smul.u32 $0x3200, s7;
	s7 =	sshll.u32 s7, $0x6  }
0xb: {  	_ =	strace $0x80000047;
	s8 =	ssub.s32 s9, s31;
	s4 =	sadd.s32 s4, s7  }
0xc: {  	v0 =	vlaneseq.u32;
	s6 =	sadd.s32 s6, s7;
	s9 =	simm.s32 $0x1;
	s5 =	sadd.s32 s5, s10  }
0xd: {  	v0 =	vmul.u32 $0xC8, v0;
	s7 =	smax.u32 s8, $0x1;
	s8 =	simm.s32 $0x19400;
	s10 =	simm.s32 $0x19000  }
.LBB2_1:
0xe: {  	[tilespmem:s8], [sflag:$0x1] =	stream.linear.gather [hbm4b:s3+s2], $0x80, $0x38;
	[tilespmem:$0x19480] =	vst v63  }
0xf: {  	_ =	swait.ge [sflag:s9], $0x80  }
0x10: {  	[sflag:s9] =	ssyncset.done $0x0  }
0x11: {  	[sflag:s9] =	ssyncadd.s32 $0xFFFFFF80  }
0x12: {  	[tilespmem:s10], [sflag:$0x1] =	stream.linear.gather [hbm4b:s4+s2], $0x200, $0x38;
	[tilespmem:$0x19480] =	vst v63  }
0x13: {  	_ =	swait.ge [sflag:s9], $0x200  }
0x14: {  	[sflag:s9] =	ssyncset.done $0x0  }
0x15: {  	[sflag:s9] =	ssyncadd.s32 $0xFFFFFE00  }
0x16: {  	[tilespmem:s2], [sflag:$0x1] =	stream.linear.gather [hbm4b:s5+s2], $0x19000, $0x38;
	[tilespmem:$0x19480] =	vst v63  }
0x17: {  	_ =	swait.ge [sflag:s9], $0x19000  }
0x18: {  	[sflag:s9] =	ssyncset.done $0x0  }
0x19: {  	[sflag:s9] =	ssyncadd.s32 $0xFFFE7000  }
0x1a: {  	v1 =	vld [tilespmem:$0x19400];
	_ =	sdelay $0x3  }
0x1b: {  	s13 =	simm.s32 $0x0  }
.LBB2_2:
0x1c: {  	s14 =	smul.u32 $0xC80, s13;
	_ =	sdelay $0x1  }
0x1d: {  	s23 =	simm.s32 $0x1;
	v2 =	vadd.s32 s14, v0  }
0x1e: {  	s15 =	simm.s32 $0x0;
	v3 =	vadd.s32 s23, v2  }
0x1f: {  	s24 =	simm.s32 $0x3;
	v4 =	vadd.s32 s15, v2  }
0x20: {  	s25 =	simm.s32 $0xB;
	v5 =	vadd.s32 s24, v2  }
0x21: {  	s26 =	simm.s32 $0x12;
	v6 =	vadd.s32 s25, v2  }
0x22: {  	s28 =	simm.s32 $0x11;
	v7 =	vadd.s32 s26, v2  }
0x23: {  	s29 =	simm.s32 $0xD;
	v8 =	vadd.s32 s28, v2;
	v3 =	vld.idx.msk [tilespmem:v3+s2+$0x0], $0xffff  }
0x24: {  	s16 =	simm.s32 $0x1A;
	v9 =	vadd.s32 s29, v2;
	v10 =	vld.idx.msk [tilespmem:v4+s2+$0x0], $0xffff  }
0x25: {  	s17 =	simm.s32 $0x17;
	v13 =	vadd.s32 s16, v2;
	v11 =	vld.idx.msk [tilespmem:v5+s2+$0x0], $0xffff  }
0x26: {  	s21 =	simm.s32 $0x1C;
	v14 =	vadd.s32 s17, v2;
	v6 =	vld.idx.msk [tilespmem:v6+s2+$0x0], $0xffff  }
0x27: {  	s22 =	simm.s32 $0x1D;
	v17 =	vadd.s32 s21, v2;
	v7 =	vld.idx.msk [tilespmem:v7+s2+$0x0], $0xffff  }
0x28: {  	s15 =	simm.s32 $0x18;
	v19 =	vadd.s32 s22, v2;
	v8 =	vld.idx.msk [tilespmem:v8+s2+$0x0], $0xffff  }
0x29: {  	s24 =	simm.s32 $0x2;
	v12 =	vadd.s32 s15, v2;
	v15 =	vld.idx.msk [tilespmem:v9+s2+$0x0], $0xffff  }
0x2a: {  	s26 =	simm.s32 $0x14;
	v23 =	vadd.s32 s24, v2;
	v13 =	vld.idx.msk [tilespmem:v13+s2+$0x0], $0xffff  }
0x2b: {  	s16 =	simm.s32 $0x7;
	v26 =	vadd.s32 s26, v2;
	v21 =	vld.idx.msk [tilespmem:v14+s2+$0x0], $0xffff  }
0x2c: {  	s30 =	simm.s32 $0xA;
	v31 =	vadd.s32 s16, v2;
	v20 =	vld.idx.msk [tilespmem:v17+s2+$0x0], $0xffff  }
0x2d: {  	s31 =	simm.s32 $0x15;
	v4 =	vadd.s32 s30, v2;
	v29 =	vld.idx.msk [tilespmem:v19+s2+$0x0], $0xffff  }
0x2e: {  	s18 =	simm.s32 $0x4;
	v5 =	vadd.s32 s31, v2;
	v12 =	vld.idx.msk [tilespmem:v12+s2+$0x0], $0xffff  }
0x2f: {  	s23 =	simm.s32 $0xE;
	v9 =	vadd.s32 s18, v2;
	v34 =	vld.idx.msk [tilespmem:v23+s2+$0x0], $0xffff  }
0x30: {  	s28 =	simm.s32 $0xF;
	v14 =	vadd.s32 s23, v2;
	v38 =	vld.idx.msk [tilespmem:v26+s2+$0x0], $0xffff  }
0x31: {  	s29 =	simm.s32 $0x13;
	v28 =	vadd.s32 s28, v2;
	v26 =	vld.idx.msk [tilespmem:v31+s2+$0x0], $0xffff  }
0x32: {  	s19 =	simm.s32 $0x9;
	v19 =	vadd.s32 s29, v2;
	v16 =	vld.idx.msk [tilespmem:v4+s2+$0x0], $0xffff  }
0x33: {  	s22 =	simm.s32 $0x16;
	v4 =	vadd.s32 s19, v2;
	v18 =	vld.idx.msk [tilespmem:v5+s2+$0x0], $0xffff  }
0x34: {  	v39 =	vadd.s32 s22, v2;
	s23 =	simm.s32 $0x25;
	v22 =	vld.idx.msk [tilespmem:v9+s2+$0x0], $0xffff  }
0x35: {  	s18 =	simm.s32 $0x5;
	v40 =	vadd.s32 s23, v2;
	v30 =	vld.idx.msk [tilespmem:v14+s2+$0x0], $0xffff  }
0x36: {  	s20 =	simm.s32 $0x1B;
	v23 =	vadd.s32 s18, v2;
	v27 =	vperm.xlane v1, v8;
	v8 =	vld.idx.msk [tilespmem:v28+s2+$0x0], $0xffff  }
0x37: {  	s25 =	simm.s32 $0x20;
	s17 =	simm.s32 $0x22;
	s26 =	simm.s32 $0x21;
	v5 =	vadd.s32 s20, v2;
	v41 =	vld.idx.msk [tilespmem:v19+s2+$0x0], $0xffff  }
0x38: {  	v32 =	vadd.s32 s17, v2;
	v44 =	vadd.s32 s26, v2;
	s31 =	simm.s32 $0x24;
	v24 =	vld.idx.msk [tilespmem:v4+s2+$0x0], $0xffff;
	v4 =	vadd.s32 s25, v2  }
0x39: {  	v14 =	vadd.s32 s31, v2;
	s20 =	simm.s32 $0x10;
	v37 =	vperm.xlane v1, v3;
	v17 =	vperm.xlane v1, v11;
	v19 =	vld.idx.msk [tilespmem:v39+s2+$0x0], $0xffff  }
0x3a: {  	s28 =	simm.s32 $0x23;
	v3 =	vperm.xlane v1, v15;
	v15 =	vperm.xlane v1, v10;
	v36 =	vadd.s32 s20, v2;
	v40 =	vld.idx.msk [tilespmem:v40+s2+$0x0], $0xffff  }
0x3b: {  	v45 =	vadd.s32 s28, v2;
	s30 =	simm.s32 $0x6;
	v13 =	vperm.xlane v1, v13;
	v10 =	vperm.xlane v1, v12;
	v39 =	vld.idx.msk [tilespmem:v23+s2+$0x0], $0xffff  }
0x3c: {  	v33 =	vadd.s32 s30, v2;
	v23 =	vperm.xlane v1, v29;
	v38 =	vperm.xlane v1, v38;
	v25 =	vld.idx.msk [tilespmem:v5+s2+$0x0], $0xffff  }
0x3d: {  	s24 =	simm.s32 $0x1E;
	v9 =	vimm.f32 $0.0e+00;
	v28 =	vperm.xlane v1, v22;
	v22 =	vperm.xlane v1, v6;
	v35 =	vld.idx.msk [tilespmem:v4+s2+$0x0], $0xffff  }
0x3e: {  	v11 =	vadd.s32 s24, v2;
	v42 =	vld.idx.msk [tilespmem:v14+s2+$0x0], $0xffff;
	v14 =	vperm.xlane v1, v7;
	v30 =	vperm.xlane v1, v30  }
0x3f: {  	v15 =	vadd.f32 v37, v15;
	s25 =	simm.s32 $0x1F;
	v16 =	vperm.xlane v1, v16;
	v31 =	vperm.xlane v1, v18;
	v36 =	vld.idx.msk [tilespmem:v36+s2+$0x0], $0xffff  }
0x40: {  	s19 =	simm.s32 $0xC;
	v12 =	vperm.xlane v1, v8;
	v43 =	vadd.s32 s25, v2;
	v6 =	vperm.xlane v1, v24;
	v24 =	vld.idx.msk [tilespmem:v32+s2+$0x0], $0xffff  }
0x41: {  	s29 =	simm.s32 $0x19;
	v5 =	vadd.s32 s19, v2;
	v18 =	vperm.xlane v1, v21;
	v21 =	vperm.xlane v1, v34  }
0x42: {  	v40 =	vperm.xlane v1, v40;
	v7 =	vperm.xlane v1, v35;
	v35 =	vadd.s32 s29, v2  }
0x43: {  	s21 =	simm.s32 $0x8;
	s30 =	simm.s32 $0x26;
	v33 =	vld.idx.msk [tilespmem:v33+s2+$0x0], $0xffff;
	v8 =	vadd.f32 v22, v16;
	v12 =	vadd.f32 v12, v30;
	v30 =	vperm.xlane v1, v41  }
0x44: {  	s31 =	simm.s32 $0x27;
	v34 =	vld.idx.msk [tilespmem:v45+s2+$0x0], $0xffff;
	v4 =	vadd.s32 s21, v2;
	v32 =	vadd.s32 s30, v2;
	v46 =	vperm.xlane v1, v25  }
0x45: {  	v29 =	vperm.xlane v1, v36;
	v37 =	vld.idx.msk [tilespmem:v43+s2+$0x0], $0xffff;
	v25 =	vperm.xlane v1, v24;
	v24 =	vadd.s32 s31, v2  }
0x46: {  	s14 =	simm.s32 $0x0;
	s15 =	simm.s32 $0x4F;
	v22 =	vperm.xlane v1, v42;
	v36 =	vld.idx.msk [tilespmem:v44+s2+$0x0], $0xffff;
	v16 =	vadd.f32 v46, v13;
	v13 =	vimm.f32 $0.0e+00  }
.LBB2_3:
0x47: {  	s16 =	sadd.s32 $0xFFFFFFD9, s15;
	s18 =	sadd.s32 $0xFFFFFFDA, s15;
	s17 =	sadd.s32 $0xFFFFFFDB, s15;
	v41 =	vadd.f32 v17, v21;
	v29 =	vadd.f32 v27, v29;
	v17 =	vld.idx.msk [tilespmem:v35+s2+$0x0], $0xffff;
	v20 =	vperm.xlane v1, v20  }
0x48: {  	s19 =	sadd.s32 $0xFFFFFFDD, s15;
	v39 =	vperm.xlane v1, v39;
	v27 =	vadd.s32 s16, v2;
	v35 =	vadd.s32 s18, v2;
	s18 =	sadd.s32 $0xFFFFFFDC, s15;
	s16 =	sadd.s32 $0xFFFFFFE2, s15;
	v42 =	vld.idx.msk [tilespmem:v5+s2+$0x0], $0xffff  }
0x49: {  	s20 =	sadd.s32 $0xFFFFFFEC, s15;
	v45 =	vperm.xlane v1, v26;
	v44 =	vadd.s32 s19, v2;
	s19 =	sadd.s32 $0xFFFFFFE4, s15;
	v43 =	vadd.s32 s18, v2;
	s18 =	sadd.s32 $0xFFFFFFDF, s15;
	v32 =	vld.idx.msk [tilespmem:v32+s2+$0x0], $0xffff  }
0x4a: {  	s21 =	sadd.s32 $0xFFFFFFE3, s15;
	v22 =	vadd.f32 v40, v22;
	v46 =	vadd.s32 s19, v2;
	s19 =	sadd.s32 $0xFFFFFFEA, s15;
	v21 =	vadd.s32 s18, v2;
	s18 =	sadd.s32 $0xFFFFFFE0, s15;
	v47 =	vld.idx.msk [tilespmem:v24+s2+$0x0], $0xffff  }
0x4b: {  	s22 =	sadd.s32 $0xFFFFFFDE, s15;
	v28 =	vadd.f32 v39, v28;
	v40 =	vadd.s32 s19, v2;
	s19 =	sadd.s32 $0xFFFFFFEB, s15;
	v26 =	vadd.s32 s18, v2;
	s18 =	sadd.s32 $0xFFFFFFE9, s15;
	v39 =	vld.idx.msk [tilespmem:v4+s2+$0x0], $0xffff  }
0x4c: {  	s23 =	sadd.s32 $0xFFFFFFE6, s15;
	s24 =	sadd.s32 $0xFFFFFFE7, s15;
	v31 =	vadd.f32 v31, v38;
	v24 =	vadd.s32 s22, v2;
	s22 =	sadd.s32 $0xFFFFFFE5, s15;
	v48 =	vadd.s32 s19, v2;
	v11 =	vld.idx.msk [tilespmem:v11+s2+$0x0], $0xffff  }
0x4d: {  	s14 =	sadd.s32 $0x5, s14;
	v38 =	vadd.s32 s23, v2;
	v49 =	vperm.xlane v1, v33;
	v5 =	vadd.s32 s22, v2;
	s19 =	sadd.s32 $0xFFFFFFE8, s15;
	v35 =	vld.idx.msk [tilespmem:v35+s2+$0x0], $0xffff  }
0x4e: {  	p0 =	slt.u32 s14, $0x14;
	v37 =	vperm.xlane v1, v37;
	v51 =	vadd.s32 s19, v2;
	v33 =	vadd.s32 s18, v2;
	v50 =	vld.idx.msk [tilespmem:v27+s2+$0x0], $0xffff  }
0x4f: {  	v52 =	vadd.s32 s20, v2;
	s20 =	sadd.s32 $0xFFFFFFEF, s15;
	v36 =	vperm.xlane v1, v36;
	s18 =	sadd.s32 $0xFFFFFFE1, s15;
	s19 =	sadd.s32 $0xFFFFFFEE, s15;
	v27 =	vld.idx.msk [tilespmem:v43+s2+$0x0], $0xffff;
	v43 =	vadd.s32 s21, v2  }
0x50: {  	v4 =	vadd.s32 s18, v2;
	v53 =	vadd.s32 s19, v2;
	s19 =	sadd.s32 $0xFFFFFFF0, s15;
	s18 =	sadd.s32 $0xFFFFFFF2, s15;
	s21 =	sadd.s32 $0xFFFFFFF1, s15;
	v47 =	vperm.xlane v1, v47;
	v46 =	vld.idx.msk [tilespmem:v46+s2+$0x0], $0xffff  }
0x51: {  	v45 =	vadd.f32 v45, v49;
	v54 =	vadd.s32 s19, v2;
	s19 =	sadd.s32 $0xFFFFFFF3, s15;
	v55 =	vadd.s32 s21, v2;
	v48 =	vld.idx.msk [tilespmem:v48+s2+$0x0], $0xffff  }
0x52: {  	v49 =	vadd.s32 s17, v2;
	v42 =	vperm.xlane v1, v42;
	v56 =	vadd.s32 s19, v2;
	v40 =	vld.idx.msk [tilespmem:v40+s2+$0x0], $0xffff  }
0x53: {  	v58 =	vadd.s32 s20, v2;
	s17 =	sadd.s32 $0xFFFFFFED, s15;
	v59 =	vperm.xlane v1, v32;
	v57 =	vperm.xlane v1, v35;
	v38 =	vld.idx.msk [tilespmem:v38+s2+$0x0], $0xffff  }
0x54: {  	v60 =	vadd.s32 s17, v2;
	v32 =	vadd.s32 s16, v2;
	v35 =	vperm.xlane v1, v17;
	v43 =	vld.idx.msk [tilespmem:v43+s2+$0x0], $0xffff  }
0x55: {  	v14 =	vadd.f32 v30, v14;
	v61 =	vadd.s32 s24, v2;
	s16 =	sadd.s32 $0xFFFFFFF4, s15;
	v17 =	vperm.xlane v1, v27;
	v53 =	vld.idx.msk [tilespmem:v53+s2+$0x0], $0xffff  }
0x56: {  	v23 =	vadd.f32 v23, v20;
	s17 =	sadd.s32 $0xFFFFFFF6, s15;
	v20 =	vperm.xlane v1, v34;
	v27 =	vadd.s32 s16, v2;
	s16 =	sadd.s32 $0xFFFFFFF5, s15;
	v30 =	vld.idx.msk [tilespmem:v55+s2+$0x0], $0xffff  }
0x57: {  	v62 =	vperm.xlane v1, v11;
	v55 =	vadd.s32 s16, v2;
	s16 =	sadd.s32 $0xFFFFFFF7, s15;
	v34 =	vld.idx.msk [tilespmem:v56+s2+$0x0], $0xffff;
	v56 =	vadd.s32 s17, v2  }
0x58: {  	v15 =	vadd.f32 v41, v15;
	v28 =	vadd.f32 v45, v28;
	v11 =	vadd.s32 s16, v2;
	s16 =	sadd.s32 $0xFFFFFFF8, s15;
	v54 =	vld.idx.msk [tilespmem:v54+s2+$0x0], $0xffff  }
0x59: {  	v19 =	vperm.xlane v1, v19;
	v25 =	vadd.f32 v20, v25;
	v41 =	vld.idx.msk [tilespmem:v44+s2+$0x0], $0xffff;
	v44 =	vadd.s32 s16, v2;
	s16 =	sadd.s32 $0xFFFFFFF9, s15  }
0x5a: {  	v9 =	vadd.f32 v28, v9;
	v28 =	vperm.xlane v1, v39;
	v45 =	vld.idx.msk [tilespmem:v32+s2+$0x0], $0xffff;
	v32 =	vadd.s32 s16, v2;
	s16 =	sadd.s32 $0xFFFFFFFA, s15  }
0x5b: {  	v18 =	vadd.f32 v18, v19;
	v10 =	vadd.f32 v35, v10;
	s17 =	sadd.s32 $0xFFFFFFFC, s15;
	v39 =	vld.idx.msk [tilespmem:v27+s2+$0x0], $0xffff;
	v63 =	vadd.s32 s16, v2;
	s16 =	sadd.s32 $0xFFFFFFFB, s15  }
0x5c: {  	v6 =	vadd.f32 v6, v28;
	v20 =	vld.idx.msk [tilespmem:v55+s2+$0x0], $0xffff;
	v19 =	vadd.s32 s16, v2;
	v55 =	vadd.s32 s17, v2  }
0x5d: {  	v3 =	vadd.f32 v3, v42;
	v37 =	vadd.f32 v37, v62;
	v27 =	vperm.xlane v1, v40;
	v40 =	vld.idx.msk [tilespmem:v56+s2+$0x0], $0xffff  }
0x5e: {  	v29 =	vadd.f32 v14, v29;
	v7 =	vadd.f32 v36, v7;
	v35 =	vadd.s32 s18, v2;
	s16 =	sadd.s32 $0xFFFFFFFD, s15;
	v42 =	vld.idx.msk [tilespmem:v61+s2+$0x0], $0xffff  }
0x5f: {  	v12 =	vadd.f32 v12, v3;
	v10 =	vadd.f32 v16, v10;
	v36 =	vld.idx.msk [tilespmem:v49+s2+$0x0], $0xffff;
	v49 =	vadd.s32 s16, v2  }
0x60: {  	v13 =	vadd.f32 v15, v13;
	v25 =	vadd.f32 v25, v7;
	v3 =	vperm.xlane v1, v38;
	s16 =	sadd.s32 $0xFFFFFFFE, s15;
	v16 =	vld.idx.msk [tilespmem:v32+s2+$0x0], $0xffff  }
0x61: {  	v7 =	vperm.xlane v1, v50;
	v6 =	vadd.f32 v8, v6;
	v50 =	vadd.s32 s16, v2;
	s16 =	sadd.s32 $0xFFFFFFFF, s15;
	v38 =	vld.idx.msk [tilespmem:v60+s2+$0x0], $0xffff  }
0x62: {  	v8 =	vadd.f32 v12, v9;
	v28 =	vperm.xlane v1, v41;
	v32 =	vadd.s32 s16, v2;
	v41 =	vld.idx.msk [tilespmem:v51+s2+$0x0], $0xffff  }
0x63: {  	v9 =	vperm.xlane v1, v46;
	v14 =	vperm.xlane v1, v48;
	v12 =	vadd.f32 v6, v13;
	v46 =	vld.idx.msk [tilespmem:v52+s2+$0x0], $0xffff  }
0x64: {  	v15 =	vadd.f32 v57, v7;
	v7 =	vadd.f32 v18, v31;
	v6 =	vperm.xlane v1, v45;
	v45 =	vld.idx.msk [tilespmem:v49+s2+$0x0], $0xffff  }
0x65: {  	v13 =	vadd.f32 v47, v59;
	v12 =	vadd.f32 v29, v12;
	v42 =	vperm.xlane v1, v42;
	v48 =	vld.idx.msk [tilespmem:v19+s2+$0x0], $0xffff  }
0x66: {  	v23 =	vadd.f32 v37, v23;
	v18 =	vperm.xlane v1, v43;
	v29 =	vld.idx.msk [tilespmem:v33+s2+$0x0], $0xffff;
	v33 =	vadd.f32 v7, v8  }
0x67: {  	v31 =	vperm.xlane v1, v53;
	v12 =	vadd.f32 v10, v12;
	v7 =	vperm.xlane v1, v16;
	v26 =	vld.idx.msk [tilespmem:v26+s2+$0x0], $0xffff  }
0x68: {  	v10 =	vperm.xlane v1, v30;
	v8 =	vadd.f32 v9, v18;
	v9 =	vadd.f32 v13, v22;
	v43 =	vld.idx.msk [tilespmem:v50+s2+$0x0], $0xffff  }
0x69: {  	v16 =	vperm.xlane v1, v41;
	v41 =	vperm.xlane v1, v39;
	v30 =	vadd.f32 v23, v33;
	v19 =	vld.idx.msk [tilespmem:v58+s2+$0x0], $0xffff  }
.Ltmp0:
0x6a: {  	v34 =	vperm.xlane v1, v34;
	v13 =	vadd.f32 v25, v12;
	v23 =	vperm.xlane v1, v40;
	v39 =	vld.idx.msk [tilespmem:v24+s2+$0x0], $0xffff;
	(pc) =	sbr.rel @p0 .LBB2_3-.Ltmp0, $4  }
0x6b: {  	v18 =	vperm.xlane v1, v54;
	v22 =	vperm.xlane v1, v45;
	v9 =	vadd.f32 v9, v30;
	v33 =	vld.idx.msk [tilespmem:v21+s2+$0x0], $0xffff  }
0x6c: {  	v12 =	vadd.f32 v16, v42;
	v21 =	vperm.xlane v1, v36;
	v29 =	vperm.xlane v1, v29;
	v37 =	vld.idx.msk [tilespmem:v44+s2+$0x0], $0xffff  }
0x6d: {  	v30 =	vperm.xlane v1, v46;
	v25 =	vperm.xlane v1, v48;
	v24 =	vadd.s32 s15, v2;
	v36 =	vld.idx.msk [tilespmem:v63+s2+$0x0], $0xffff  }
0x6e: {  	v38 =	vperm.xlane v1, v38;
	v16 =	vadd.f32 v41, v34;
	s15 =	sadd.s32 $0x28, s15;
	v40 =	vperm.xlane v1, v43;
	v34 =	vld.idx.msk [tilespmem:v55+s2+$0x0], $0xffff  }
0x6f: {  	_ =	sdelay $0x2  }
0x70: {  	v45 =	vperm.xlane v1, v39;
	v17 =	vadd.f32 v17, v21  }
0x71: {  	v2 =	vld.idx.msk [tilespmem:v35+s2+$0x0], $0xffff;
	v46 =	vperm.xlane v1, v26;
	v27 =	vadd.f32 v27, v29;
	v20 =	vperm.xlane v1, v20  }
0x72: {  	v5 =	vld.idx.msk [tilespmem:v5+s2+$0x0], $0xffff;
	v14 =	vadd.f32 v30, v14;
	v51 =	vperm.xlane v1, v19;
	v22 =	vadd.f32 v40, v22  }
0x73: {  	v4 =	vld.idx.msk [tilespmem:v4+s2+$0x0], $0xffff;
	v47 =	vperm.xlane v1, v33;
	v49 =	vadd.f32 v31, v38;
	v28 =	vadd.f32 v45, v28  }
0x74: {  	v11 =	vld.idx.msk [tilespmem:v11+s2+$0x0], $0xffff;
	v20 =	vadd.f32 v23, v20;
	v15 =	vadd.f32 v17, v15  }
0x75: {  	v52 =	vld.idx.msk [tilespmem:v24+s2+$0x0], $0xffff;
	v48 =	vperm.xlane v1, v37;
	v17 =	vadd.f32 v18, v51;
	v21 =	vadd.f32 v46, v47  }
0x76: {  	v54 =	vld.idx.msk [tilespmem:v32+s2+$0x0], $0xffff;
	v57 =	vadd.f32 v14, v27;
	v55 =	vperm.xlane v1, v36;
	v50 =	vperm.xlane v1, v34  }
0x77: {  	v58 =	vadd.f32 v15, v13;
	v5 =	vperm.xlane v1, v5;
	v21 =	vadd.f32 v21, v28  }
0x78: {  	v61 =	vadd.f32 v17, v49;
	v2 =	vperm.xlane v1, v2;
	v4 =	vperm.xlane v1, v4  }
0x79: {  	v11 =	vperm.xlane v1, v11;
	v53 =	vadd.f32 v50, v25;
	v9 =	vadd.f32 v21, v9  }
0x7a: {  	v59 =	vperm.xlane v1, v52;
	v4 =	vadd.f32 v6, v4;
	v3 =	vadd.f32 v3, v5  }
0x7b: {  	v60 =	vperm.xlane v1, v54;
	v2 =	vadd.f32 v2, v10;
	v56 =	vadd.f32 v48, v11  }
0x7c: {  	v4 =	vadd.f32 v8, v4;
	v3 =	vadd.f32 v12, v3  }
0x7d: {  	v5 =	vadd.f32 v55, v7;
	v7 =	vadd.f32 v59, v60  }
0x7e: {  	v4 =	vadd.f32 v4, v58;
	v3 =	vadd.f32 v3, v9  }
0x7f: {  	v2 =	vadd.f32 v16, v2;
	v6 =	vadd.f32 v56, v20  }
0x80: {  	v4 =	vadd.f32 v57, v4;
	v3 =	vadd.f32 v61, v3  }
0x81: {  	v5 =	vadd.f32 v53, v5;
	v62 =	vadd.f32 v7, v22  }
0x82: {  	s14 =	sshll.u32 s13, $0x4;
	v2 =	vadd.f32 v2, v4;
	v3 =	vadd.f32 v6, v3  }
0x83: {  	v63 =	vld [tilespmem:s14+$0x19000]  }
0x84: {  	s13 =	sadd.s32 $0x1, s13;
	v2 =	vadd.f32 v5, v2;
	v3 =	vadd.f32 v62, v3  }
0x85: {  	p0 =	sne.s32 s13, $0x20  }
.Ltmp1:
0x86: {  	v2 =	vadd.f32 v3, v2;
	(pc) =	sbr.rel @p0 .LBB2_2-.Ltmp1, $3  }
0x87: {  	_ = 	snop  }
0x88: {  	v2 =	vadd.f32 v63, v2;
	_ =	sdelay $0x1  }
0x89: {  	[tilespmem:s14+$0x19200] =	vst v2  }
0x8a: {  	s12 =	sadd.s32 $0x1, s12  }
0x8b: {  	p0 =	sne.s32 s12, s7  }
.Ltmp2:
0x8c: {  	_ = 	snop;
	(pc) =	sbr.rel @p0 .LBB2_1-.Ltmp2, $4  }
0x8d: {  	[hbm4b:s6+s2] =	stream.linear.scatter [tilespmem:s11], [sflag:$0x1], $0x200, $0x38;
	[tilespmem:$0x19480] =	vst v63  }
0x8e: {  	_ =	swait.ge [sflag:s9], $0x200  }
0x8f: {  	[sflag:s9] =	ssyncset.done $0x0  }
0x90: {  	[sflag:s9] =	ssyncadd.s32 $0xFFFFFE00  }
0x91: {  	_ =	sfence.sel $0x180000  }
0x92: {  	[bflag:$0x0] =	sbarrier.arrive $0xFFFF  }
0x93: {  	p0 =	sne.s32 s1, $0x0;
	_ =	strace $0x90000047  }
0x94: {  	s0 =	sadd.s32 @!p0 $0x100000, s0;
	[bflag:$0x2] =	sbarrier.arrive $0xFFFF  }
0x95: {  	[sflag:s0] =	ssyncadd.tile.s32 @!p0 $0x1;
	_ =	shalt  }
.Lfunc_end2:
_tile_overlayer_lowered:
.L_overlay_start_2:
0x96: {  	(tag) =	ssettag $0x2  }
0x97: {  	s0 =	rddreg [dreg:$0x0];
	s2 =	stileid.u32  }
0x98: {  	s1 =	rddreg [dreg:$0x1];
	p0 =	sne.s32 s2, $0x0  }
0x99: {  	s3 =	rddreg [dreg:$0x2];
	[bflag:$0x3] =	sbarrier.arrive $0xFFFF;
	s2 =	simm.s32 @!p0 $0x1C01  }
0x9a: {  	[timem:s3], [sflag:s2] =	dma.local @!p0 [hbm:s0], s1  }
0x9b: {  	s0 =	simm.s32 @!p0 $0x1  }
0x9c: {  	_ =	swait.ge @!p0 [sflag:s0], s1  }
0x9d: {  	s1 =	ssub.s32 @!p0 $0x0, s1;
	[sflag:s0] =	ssyncset.done @!p0 $0x0  }
0x9e: {  	[sflag:s0] =	ssyncadd.s32 @!p0 s1  }
0x9f: {  	[bflag:$0x3] =	sbarrier.arrive $0xFFFF  }
0xa0: {  	_ =	shalt  }

</sc_bundles>
